<compile_context>
chip_gen: v7x
topology: tpu7x:2x2x1
jax: 0.10.2.dev20260603
libtpu: 0.0.44.dev20260713+nightly
codegen_flags: <defaults>
</compile_context>

<pallas_src>
import functools

import jax
import jax.numpy as jnp
from jax import lax
from jax.experimental import pallas as pl
from jax.experimental.pallas import tpu as pltpu
from jax.experimental.pallas import tpu_sc as plsc

_INFO = plsc.get_sparse_core_info()
_NC = _INFO.num_cores
_NS = _INFO.num_subcores
_NW = _NC * _NS
_L = 16
_CHUNK = 128


def _make_phase1(batch, n_rows, tail_len):
    seg = (n_rows // (_NS * _CHUNK)) * _CHUNK
    half = seg // 2
    tail_start = n_rows - tail_len
    b_per_t = batch // _NS
    n_chunks = b_per_t // _CHUNK
    mesh = plsc.VectorSubcoreMesh(core_axis_name="c", subcore_axis_name="s")

    @functools.partial(
        pl.kernel,
        out_type=jax.ShapeDtypeStruct((4 * batch,), jnp.float32),
        mesh=mesh,
        scratch_types=[
            pltpu.VMEM_SHARED((n_rows,), jnp.float32),
            pltpu.VMEM((half,), jnp.float32),
            pltpu.VMEM((half,), jnp.float32),
            pltpu.VMEM((tail_len,), jnp.float32),
            pltpu.VMEM((tail_len,), jnp.float32),
            pltpu.VMEM((b_per_t,), jnp.int32),
            pltpu.VMEM((b_per_t,), jnp.float32),
            pltpu.VMEM((b_per_t,), jnp.float32),
            pltpu.SemaphoreType.DMA,
            pltpu.SemaphoreType.DMA,
            pltpu.SemaphoreType.DMA,
            pltpu.SemaphoreType.DMA,
            pltpu.SemaphoreType.DMA,
            pltpu.SemaphoreType.DMA,
        ],
    )
    def phase1(user_hbm, item_hbm, ut_hbm, it_hbm, utt_hbm, itt_hbm, out_hbm,
               sp, va, vb, vt0, vt1, idx_v, g0, g1,
               sem_ha, sem_hb, sem_sa, sem_sb, sem_g, sem_w):
        cid = lax.axis_index("c")
        sid = lax.axis_index("s")
        base = sid * b_per_t
        start = sid * seg

        def read_half(row, buf, off, sem):
            @pl.when(cid == 0)
            def _():
                pltpu.async_copy(ut_hbm.at[row, pl.ds(start + off, half)],
                                 buf, sem)

            @pl.when(cid == 1)
            def _():
                pltpu.async_copy(it_hbm.at[row, pl.ds(start + off, half)],
                                 buf, sem)

            return pltpu.make_async_copy(
                ut_hbm.at[row, pl.ds(start + off, half)], buf, sem)

        @pl.when(cid == 0)
        def _():
            pltpu.sync_copy(user_hbm.at[pl.ds(base, b_per_t)], idx_v)

        @pl.when(cid == 1)
        def _():
            pltpu.sync_copy(item_hbm.at[pl.ds(base, b_per_t)], idx_v)

        @pl.when(jnp.logical_and(sid == 0, cid == 0))
        def _():
            pltpu.async_copy(utt_hbm.at[0, pl.ds(0, tail_len)], vt0, sem_w)
            pltpu.async_copy(utt_hbm.at[1, pl.ds(0, tail_len)], vt1, sem_w)

        @pl.when(jnp.logical_and(sid == 0, cid == 1))
        def _():
            pltpu.async_copy(itt_hbm.at[0, pl.ds(0, tail_len)], vt0, sem_w)
            pltpu.async_copy(itt_hbm.at[1, pl.ds(0, tail_len)], vt1, sem_w)

        ra = read_half(0, va, 0, sem_ha)
        rb = read_half(0, vb, half, sem_hb)
        ra.wait()
        sa = pltpu.async_copy(va, sp.at[pl.ds(start, half)], sem_sa)
        rb.wait()
        sb = pltpu.async_copy(vb, sp.at[pl.ds(start + half, half)], sem_sb)
        sa.wait()
        ra1 = read_half(1, va, 0, sem_ha)
        sb.wait()
        rb1 = read_half(1, vb, half, sem_hb)

        @pl.when(sid == 0)
        def _():
            pltpu.make_async_copy(utt_hbm.at[0, pl.ds(0, tail_len)],
                                  vt0, sem_w).wait()
            pltpu.make_async_copy(utt_hbm.at[1, pl.ds(0, tail_len)],
                                  vt1, sem_w).wait()
            pltpu.sync_copy(vt0, sp.at[pl.ds(tail_start, tail_len)])

        plsc.subcore_barrier()

        pltpu.async_copy(sp.at[idx_v], g0, sem_g).wait()
        w0 = pltpu.async_copy(
            g0, out_hbm.at[pl.ds(2 * cid * batch + sid * b_per_t, b_per_t)],
            sem_w)
        plsc.subcore_barrier()

        ra1.wait()
        sa1 = pltpu.async_copy(va, sp.at[pl.ds(start, half)], sem_sa)
        rb1.wait()
        sb1 = pltpu.async_copy(vb, sp.at[pl.ds(start + half, half)], sem_sb)
        sa1.wait()
        sb1.wait()

        @pl.when(sid == 0)
        def _():
            pltpu.sync_copy(vt1, sp.at[pl.ds(tail_start, tail_len)])

        plsc.subcore_barrier()

        pltpu.async_copy(sp.at[idx_v], g1, sem_g).wait()
        pltpu.sync_copy(
            g1, out_hbm.at[pl.ds((2 * cid + 1) * batch + sid * b_per_t,
                                 b_per_t)])
        w0.wait()

    return phase1

def _make_phase2(rows, cols):
    def body(cols4, o):
        o[...] = (cols4[0] * cols4[2] + cols4[1] * cols4[3])

    return pl.pallas_call(
        body,
        out_shape=jax.ShapeDtypeStruct((rows, cols), jnp.float32),
    )


def kernel(user, item, user_table, item_table):
    batch = user.shape[0]
    n_rows = user_table.shape[0]
    tail_len = 5 * _CHUNK
    p1 = _make_phase1(batch, n_rows, tail_len)
    rows = batch // 128
    p2 = _make_phase2(rows, 128)
    cols = p1(user.astype(jnp.int32), item.astype(jnp.int32),
              user_table.T, item_table.T,
              user_table[n_rows - tail_len:].T,
              item_table[n_rows - tail_len:].T)
    out2d = p2(cols.reshape(4, rows, 128))
    return out2d.reshape(batch)

# --- scband reference (transcript-rebuilt; emitter-appended) ---
"""Pipeline reference for scband-mf-58454504898839 (READ-ONLY COPY).

The authoritative reference and input builder live on the scoring server;
editing this copy changes nothing except your own understanding.
"""

import jax, jax.numpy as jnp
import numpy as np

N_USERS = 1000000
N_ITEMS = 1000000
EMB_DIM = 2
BATCH = 16384


def setup_inputs(seed: int = 0) -> dict:
    key = jax.random.key(seed)
    k1, k2, k3, k4 = jax.random.split(key, 4)
    user = jax.random.randint(k1, (BATCH,), 0, N_USERS, dtype=jnp.int64 if jax.config.jax_enable_x64 else jnp.int32)
    item = jax.random.randint(k2, (BATCH,), 0, N_ITEMS, dtype=jnp.int64 if jax.config.jax_enable_x64 else jnp.int32)
    # xavier_normal init: std = sqrt(2 / (fan_in + fan_out)) = sqrt(2 / (num_emb + emb_dim))
    std_u = float(np.sqrt(2.0 / (N_USERS + EMB_DIM)))
    std_i = float(np.sqrt(2.0 / (N_ITEMS + EMB_DIM)))
    user_table = jax.random.normal(k3, (N_USERS, EMB_DIM), dtype=jnp.float32) * std_u
    item_table = jax.random.normal(k4, (N_ITEMS, EMB_DIM), dtype=jnp.float32) * std_i
    return {"user": user, "item": item, "user_table": user_table, "item_table": item_table}


def reference(user, item, user_table, item_table):
    user_e = jnp.take(user_table, user, axis=0)  # [B, emb_dim]
    item_e = jnp.take(item_table, item, axis=0)  # [B, emb_dim]
    return jnp.multiply(user_e, item_e).sum(axis=1)  # [B]

if __name__ == "__main__":
    import jax
    _d = setup_inputs()
    print(jax.jit(kernel)(*tuple(_d.values())))

</pallas_src>

<mosaic_0001>
#map = affine_map<(d0, d1) -> (0)>
#map1 = affine_map<(d0, d1) -> (0, 0)>
module attributes {stable_mosaic.version = 14 : i64} {
  func.func @phase1(%arg0: i32, %arg1: i32, %arg2: memref<16384xi32, #tpu.memory_space<hbm>>, %arg3: memref<16384xi32, #tpu.memory_space<hbm>>, %arg4: memref<2x1000000xf32, #tpu.memory_space<hbm>>, %arg5: memref<2x1000000xf32, #tpu.memory_space<hbm>>, %arg6: memref<2x640xf32, #tpu.memory_space<hbm>>, %arg7: memref<2x640xf32, #tpu.memory_space<hbm>>, %arg8: memref<65536xf32, #tpu.memory_space<hbm>>, %arg9: memref<1000000xf32, #tpu.memory_space<vmem_shared>>, %arg10: memref<31232xf32, #tpu.memory_space<vmem>>, %arg11: memref<31232xf32, #tpu.memory_space<vmem>>, %arg12: memref<640xf32, #tpu.memory_space<vmem>>, %arg13: memref<640xf32, #tpu.memory_space<vmem>>, %arg14: memref<1024xi32, #tpu.memory_space<vmem>>, %arg15: memref<1024xf32, #tpu.memory_space<vmem>>, %arg16: memref<1024xf32, #tpu.memory_space<vmem>>, %arg17: memref<!tpu.dma_semaphore, #tpu.memory_space<semaphore_mem>>, %arg18: memref<!tpu.dma_semaphore, #tpu.memory_space<semaphore_mem>>, %arg19: memref<!tpu.dma_semaphore, #tpu.memory_space<semaphore_mem>>, %arg20: memref<!tpu.dma_semaphore, #tpu.memory_space<semaphore_mem>>, %arg21: memref<!tpu.dma_semaphore, #tpu.memory_space<semaphore_mem>>, %arg22: memref<!tpu.dma_semaphore, #tpu.memory_space<semaphore_mem>>) attributes {dimension_semantics = [#tpu.dimension_semantics<core_parallel>, #tpu.dimension_semantics<subcore_parallel>], iteration_bounds = array<i64: 2, 16>, scalar_prefetch = 0 : i64, scratch_operands = 14 : i64, tpu.core_type = #tpu.core_type<sc_vector_subcore>, window_params = [{transform_indices = #map}, {transform_indices = #map}, {transform_indices = #map1}, {transform_indices = #map1}, {transform_indices = #map1}, {transform_indices = #map1}, {transform_indices = #map}]} {
    %mul3A = arith.constant 1024 : i32
    %mul3A_0 = arith.muli %arg1, %mul3A : i32
    %mul3A_1 = arith.constant 62464 : i32
    %mul3A_2 = arith.muli %arg1, %mul3A_1 : i32
    %eq3A = arith.constant 0 : i32
    %eq3A_3 = arith.cmpi eq, %arg0, %eq3A : i32
    %convert_element_type3A = arith.extui %eq3A_3 : i1 to i32
    %cond3A = arith.constant 0 : i32
    %cond3A_4 = arith.cmpi ne, %convert_element_type3A, %cond3A : i32
    scf.if %cond3A_4 {
      "tpu.region"() ({
        %run_scoped3A = tpu.sem_alloc : memref<!tpu.dma_semaphore, #tpu.memory_space<semaphore_mem>>
        %dma_start3A_150 = tpu.memref_slice %arg2[%mul3A_0] : memref<16384xi32, #tpu.memory_space<hbm>> -> memref<1024xi32, #tpu.memory_space<hbm>>
        %dma_start3A_151 = tpu.memref_slice %arg2[%mul3A_0] : memref<16384xi32, #tpu.memory_space<hbm>> -> memref<1024xi32, #tpu.memory_space<hbm>>
        tpu.enqueue_dma source(%dma_start3A_151 : memref<1024xi32, #tpu.memory_space<hbm>>) target(%arg14 : memref<1024xi32, #tpu.memory_space<vmem>>) target_semaphore(%run_scoped3A : memref<!tpu.dma_semaphore, #tpu.memory_space<semaphore_mem>>)
        %dma_wait3A_152 = tpu.memref_slice %arg2[%mul3A_0] : memref<16384xi32, #tpu.memory_space<hbm>> -> memref<1024xi32, #tpu.memory_space<hbm>>
        %dma_wait3A_153 = tpu.memref_slice %arg2[%mul3A_0] : memref<16384xi32, #tpu.memory_space<hbm>> -> memref<1024xi32, #tpu.memory_space<hbm>>
        tpu.wait_dma2 semaphore(%run_scoped3A : memref<!tpu.dma_semaphore, #tpu.memory_space<semaphore_mem>>) src(%dma_wait3A_153 : memref<1024xi32, #tpu.memory_space<hbm>>) dst(%arg14 : memref<1024xi32, #tpu.memory_space<vmem>>)
        tpu.yield
      }) : () -> ()
    } else {
    }
    %eq3A_5 = arith.constant 1 : i32
    %eq3A_6 = arith.cmpi eq, %arg0, %eq3A_5 : i32
    %convert_element_type3A_7 = arith.extui %eq3A_6 : i1 to i32
    %cond3A_8 = arith.constant 0 : i32
    %cond3A_9 = arith.cmpi ne, %convert_element_type3A_7, %cond3A_8 : i32
    scf.if %cond3A_9 {
      "tpu.region"() ({
        %run_scoped3A = tpu.sem_alloc : memref<!tpu.dma_semaphore, #tpu.memory_space<semaphore_mem>>
        %dma_start3A_150 = tpu.memref_slice %arg3[%mul3A_0] : memref<16384xi32, #tpu.memory_space<hbm>> -> memref<1024xi32, #tpu.memory_space<hbm>>
        %dma_start3A_151 = tpu.memref_slice %arg3[%mul3A_0] : memref<16384xi32, #tpu.memory_space<hbm>> -> memref<1024xi32, #tpu.memory_space<hbm>>
        tpu.enqueue_dma source(%dma_start3A_151 : memref<1024xi32, #tpu.memory_space<hbm>>) target(%arg14 : memref<1024xi32, #tpu.memory_space<vmem>>) target_semaphore(%run_scoped3A : memref<!tpu.dma_semaphore, #tpu.memory_space<semaphore_mem>>)
        %dma_wait3A_152 = tpu.memref_slice %arg3[%mul3A_0] : memref<16384xi32, #tpu.memory_space<hbm>> -> memref<1024xi32, #tpu.memory_space<hbm>>
        %dma_wait3A_153 = tpu.memref_slice %arg3[%mul3A_0] : memref<16384xi32, #tpu.memory_space<hbm>> -> memref<1024xi32, #tpu.memory_space<hbm>>
        tpu.wait_dma2 semaphore(%run_scoped3A : memref<!tpu.dma_semaphore, #tpu.memory_space<semaphore_mem>>) src(%dma_wait3A_153 : memref<1024xi32, #tpu.memory_space<hbm>>) dst(%arg14 : memref<1024xi32, #tpu.memory_space<vmem>>)
        tpu.yield
      }) : () -> ()
    } else {
    }
    %eq3A_10 = arith.constant 0 : i32
    %eq3A_11 = arith.cmpi eq, %arg1, %eq3A_10 : i32
    %eq3A_12 = arith.constant 0 : i32
    %eq3A_13 = arith.cmpi eq, %arg0, %eq3A_12 : i32
    %and3A = arith.andi %eq3A_11, %eq3A_13 : i1
    %convert_element_type3A_14 = arith.extui %and3A : i1 to i32
    %cond3A_15 = arith.constant 0 : i32
    %cond3A_16 = arith.cmpi ne, %convert_element_type3A_14, %cond3A_15 : i32
    scf.if %cond3A_16 {
      %dma_start3A_150 = arith.constant 0 : i32
      %dma_start3A_151 = arith.constant 0 : i32
      %dma_start3A_152 = tpu.memref_slice %arg6[%dma_start3A_150, %dma_start3A_151] : memref<2x640xf32, #tpu.memory_space<hbm>> -> memref<1x640xf32, #tpu.memory_space<hbm>>
      %dma_start3A_153 = tpu.memref_squeeze %dma_start3A_152 : memref<1x640xf32, #tpu.memory_space<hbm>> -> memref<640xf32, #tpu.memory_space<hbm>>
      %dma_start3A_154 = arith.constant 0 : i32
      %dma_start3A_155 = tpu.memref_slice %arg6[%dma_start3A_150, %dma_start3A_154] : memref<2x640xf32, #tpu.memory_space<hbm>> -> memref<1x640xf32, #tpu.memory_space<hbm>>
      %dma_start3A_156 = tpu.memref_squeeze %dma_start3A_155 : memref<1x640xf32, #tpu.memory_space<hbm>> -> memref<640xf32, #tpu.memory_space<hbm>>
      tpu.enqueue_dma source(%dma_start3A_156 : memref<640xf32, #tpu.memory_space<hbm>>) target(%arg12 : memref<640xf32, #tpu.memory_space<vmem>>) target_semaphore(%arg22 : memref<!tpu.dma_semaphore, #tpu.memory_space<semaphore_mem>>)
      %dma_start3A_157 = arith.constant 1 : i32
      %dma_start3A_158 = arith.constant 0 : i32
      %dma_start3A_159 = tpu.memref_slice %arg6[%dma_start3A_157, %dma_start3A_158] : memref<2x640xf32, #tpu.memory_space<hbm>> -> memref<1x640xf32, #tpu.memory_space<hbm>>
      %dma_start3A_160 = tpu.memref_squeeze %dma_start3A_159 : memref<1x640xf32, #tpu.memory_space<hbm>> -> memref<640xf32, #tpu.memory_space<hbm>>
      %dma_start3A_161 = arith.constant 0 : i32
      %dma_start3A_162 = tpu.memref_slice %arg6[%dma_start3A_157, %dma_start3A_161] : memref<2x640xf32, #tpu.memory_space<hbm>> -> memref<1x640xf32, #tpu.memory_space<hbm>>
      %dma_start3A_163 = tpu.memref_squeeze %dma_start3A_162 : memref<1x640xf32, #tpu.memory_space<hbm>> -> memref<640xf32, #tpu.memory_space<hbm>>
      tpu.enqueue_dma source(%dma_start3A_163 : memref<640xf32, #tpu.memory_space<hbm>>) target(%arg13 : memref<640xf32, #tpu.memory_space<vmem>>) target_semaphore(%arg22 : memref<!tpu.dma_semaphore, #tpu.memory_space<semaphore_mem>>)
    } else {
    }
    %eq3A_17 = arith.constant 0 : i32
    %eq3A_18 = arith.cmpi eq, %arg1, %eq3A_17 : i32
    %eq3A_19 = arith.constant 1 : i32
    %eq3A_20 = arith.cmpi eq, %arg0, %eq3A_19 : i32
    %and3A_21 = arith.andi %eq3A_18, %eq3A_20 : i1
    %convert_element_type3A_22 = arith.extui %and3A_21 : i1 to i32
    %cond3A_23 = arith.constant 0 : i32
    %cond3A_24 = arith.cmpi ne, %convert_element_type3A_22, %cond3A_23 : i32
    scf.if %cond3A_24 {
      %dma_start3A_150 = arith.constant 0 : i32
      %dma_start3A_151 = arith.constant 0 : i32
      %dma_start3A_152 = tpu.memref_slice %arg7[%dma_start3A_150, %dma_start3A_151] : memref<2x640xf32, #tpu.memory_space<hbm>> -> memref<1x640xf32, #tpu.memory_space<hbm>>
      %dma_start3A_153 = tpu.memref_squeeze %dma_start3A_152 : memref<1x640xf32, #tpu.memory_space<hbm>> -> memref<640xf32, #tpu.memory_space<hbm>>
      %dma_start3A_154 = arith.constant 0 : i32
      %dma_start3A_155 = tpu.memref_slice %arg7[%dma_start3A_150, %dma_start3A_154] : memref<2x640xf32, #tpu.memory_space<hbm>> -> memref<1x640xf32, #tpu.memory_space<hbm>>
      %dma_start3A_156 = tpu.memref_squeeze %dma_start3A_155 : memref<1x640xf32, #tpu.memory_space<hbm>> -> memref<640xf32, #tpu.memory_space<hbm>>
      tpu.enqueue_dma source(%dma_start3A_156 : memref<640xf32, #tpu.memory_space<hbm>>) target(%arg12 : memref<640xf32, #tpu.memory_space<vmem>>) target_semaphore(%arg22 : memref<!tpu.dma_semaphore, #tpu.memory_space<semaphore_mem>>)
      %dma_start3A_157 = arith.constant 1 : i32
      %dma_start3A_158 = arith.constant 0 : i32
      %dma_start3A_159 = tpu.memref_slice %arg7[%dma_start3A_157, %dma_start3A_158] : memref<2x640xf32, #tpu.memory_space<hbm>> -> memref<1x640xf32, #tpu.memory_space<hbm>>
      %dma_start3A_160 = tpu.memref_squeeze %dma_start3A_159 : memref<1x640xf32, #tpu.memory_space<hbm>> -> memref<640xf32, #tpu.memory_space<hbm>>
      %dma_start3A_161 = arith.constant 0 : i32
      %dma_start3A_162 = tpu.memref_slice %arg7[%dma_start3A_157, %dma_start3A_161] : memref<2x640xf32, #tpu.memory_space<hbm>> -> memref<1x640xf32, #tpu.memory_space<hbm>>
      %dma_start3A_163 = tpu.memref_squeeze %dma_start3A_162 : memref<1x640xf32, #tpu.memory_space<hbm>> -> memref<640xf32, #tpu.memory_space<hbm>>
      tpu.enqueue_dma source(%dma_start3A_163 : memref<640xf32, #tpu.memory_space<hbm>>) target(%arg13 : memref<640xf32, #tpu.memory_space<vmem>>) target_semaphore(%arg22 : memref<!tpu.dma_semaphore, #tpu.memory_space<semaphore_mem>>)
    } else {
    }
    %eq3A_25 = arith.constant 0 : i32
    %eq3A_26 = arith.cmpi eq, %arg0, %eq3A_25 : i32
    %convert_element_type3A_27 = arith.extui %eq3A_26 : i1 to i32
    %cond3A_28 = arith.constant 0 : i32
    %cond3A_29 = arith.cmpi ne, %convert_element_type3A_27, %cond3A_28 : i32
    scf.if %cond3A_29 {
      %add3A_150 = arith.constant 0 : i32
      %add3A_151 = arith.addi %mul3A_2, %add3A_150 : i32
      %dma_start3A_152 = arith.constant 0 : i32
      %dma_start3A_153 = tpu.memref_slice %arg4[%dma_start3A_152, %add3A_151] : memref<2x1000000xf32, #tpu.memory_space<hbm>> -> memref<1x31232xf32, #tpu.memory_space<hbm>>
      %dma_start3A_154 = tpu.memref_squeeze %dma_start3A_153 : memref<1x31232xf32, #tpu.memory_space<hbm>> -> memref<31232xf32, #tpu.memory_space<hbm>>
      %dma_start3A_155 = tpu.memref_slice %arg4[%dma_start3A_152, %add3A_151] : memref<2x1000000xf32, #tpu.memory_space<hbm>> -> memref<1x31232xf32, #tpu.memory_space<hbm>>
      %dma_start3A_156 = tpu.memref_squeeze %dma_start3A_155 : memref<1x31232xf32, #tpu.memory_space<hbm>> -> memref<31232xf32, #tpu.memory_space<hbm>>
      tpu.enqueue_dma source(%dma_start3A_156 : memref<31232xf32, #tpu.memory_space<hbm>>) target(%arg10 : memref<31232xf32, #tpu.memory_space<vmem>>) target_semaphore(%arg17 : memref<!tpu.dma_semaphore, #tpu.memory_space<semaphore_mem>>)
    } else {
    }
    %eq3A_30 = arith.constant 1 : i32
    %eq3A_31 = arith.cmpi eq, %arg0, %eq3A_30 : i32
    %convert_element_type3A_32 = arith.extui %eq3A_31 : i1 to i32
    %cond3A_33 = arith.constant 0 : i32
    %cond3A_34 = arith.cmpi ne, %convert_element_type3A_32, %cond3A_33 : i32
    scf.if %cond3A_34 {
      %add3A_150 = arith.constant 0 : i32
      %add3A_151 = arith.addi %mul3A_2, %add3A_150 : i32
      %dma_start3A_152 = arith.constant 0 : i32
      %dma_start3A_153 = tpu.memref_slice %arg5[%dma_start3A_152, %add3A_151] : memref<2x1000000xf32, #tpu.memory_space<hbm>> -> memref<1x31232xf32, #tpu.memory_space<hbm>>
      %dma_start3A_154 = tpu.memref_squeeze %dma_start3A_153 : memref<1x31232xf32, #tpu.memory_space<hbm>> -> memref<31232xf32, #tpu.memory_space<hbm>>
      %dma_start3A_155 = tpu.memref_slice %arg5[%dma_start3A_152, %add3A_151] : memref<2x1000000xf32, #tpu.memory_space<hbm>> -> memref<1x31232xf32, #tpu.memory_space<hbm>>
      %dma_start3A_156 = tpu.memref_squeeze %dma_start3A_155 : memref<1x31232xf32, #tpu.memory_space<hbm>> -> memref<31232xf32, #tpu.memory_space<hbm>>
      tpu.enqueue_dma source(%dma_start3A_156 : memref<31232xf32, #tpu.memory_space<hbm>>) target(%arg10 : memref<31232xf32, #tpu.memory_space<vmem>>) target_semaphore(%arg17 : memref<!tpu.dma_semaphore, #tpu.memory_space<semaphore_mem>>)
    } else {
    }
    %add3A = arith.constant 0 : i32
    %add3A_35 = arith.addi %mul3A_2, %add3A : i32
    %eq3A_36 = arith.constant 0 : i32
    %eq3A_37 = arith.cmpi eq, %arg0, %eq3A_36 : i32
    %convert_element_type3A_38 = arith.extui %eq3A_37 : i1 to i32
    %cond3A_39 = arith.constant 0 : i32
    %cond3A_40 = arith.cmpi ne, %convert_element_type3A_38, %cond3A_39 : i32
    scf.if %cond3A_40 {
      %add3A_150 = arith.constant 31232 : i32
      %add3A_151 = arith.addi %mul3A_2, %add3A_150 : i32
      %dma_start3A_152 = arith.constant 0 : i32
      %dma_start3A_153 = tpu.memref_slice %arg4[%dma_start3A_152, %add3A_151] : memref<2x1000000xf32, #tpu.memory_space<hbm>> -> memref<1x31232xf32, #tpu.memory_space<hbm>>
      %dma_start3A_154 = tpu.memref_squeeze %dma_start3A_153 : memref<1x31232xf32, #tpu.memory_space<hbm>> -> memref<31232xf32, #tpu.memory_space<hbm>>
      %dma_start3A_155 = tpu.memref_slice %arg4[%dma_start3A_152, %add3A_151] : memref<2x1000000xf32, #tpu.memory_space<hbm>> -> memref<1x31232xf32, #tpu.memory_space<hbm>>
      %dma_start3A_156 = tpu.memref_squeeze %dma_start3A_155 : memref<1x31232xf32, #tpu.memory_space<hbm>> -> memref<31232xf32, #tpu.memory_space<hbm>>
      tpu.enqueue_dma source(%dma_start3A_156 : memref<31232xf32, #tpu.memory_space<hbm>>) target(%arg11 : memref<31232xf32, #tpu.memory_space<vmem>>) target_semaphore(%arg18 : memref<!tpu.dma_semaphore, #tpu.memory_space<semaphore_mem>>)
    } else {
    }
    %eq3A_41 = arith.constant 1 : i32
    %eq3A_42 = arith.cmpi eq, %arg0, %eq3A_41 : i32
    %convert_element_type3A_43 = arith.extui %eq3A_42 : i1 to i32
    %cond3A_44 = arith.constant 0 : i32
    %cond3A_45 = arith.cmpi ne, %convert_element_type3A_43, %cond3A_44 : i32
    scf.if %cond3A_45 {
      %add3A_150 = arith.constant 31232 : i32
      %add3A_151 = arith.addi %mul3A_2, %add3A_150 : i32
      %dma_start3A_152 = arith.constant 0 : i32
      %dma_start3A_153 = tpu.memref_slice %arg5[%dma_start3A_152, %add3A_151] : memref<2x1000000xf32, #tpu.memory_space<hbm>> -> memref<1x31232xf32, #tpu.memory_space<hbm>>
      %dma_start3A_154 = tpu.memref_squeeze %dma_start3A_153 : memref<1x31232xf32, #tpu.memory_space<hbm>> -> memref<31232xf32, #tpu.memory_space<hbm>>
      %dma_start3A_155 = tpu.memref_slice %arg5[%dma_start3A_152, %add3A_151] : memref<2x1000000xf32, #tpu.memory_space<hbm>> -> memref<1x31232xf32, #tpu.memory_space<hbm>>
      %dma_start3A_156 = tpu.memref_squeeze %dma_start3A_155 : memref<1x31232xf32, #tpu.memory_space<hbm>> -> memref<31232xf32, #tpu.memory_space<hbm>>
      tpu.enqueue_dma source(%dma_start3A_156 : memref<31232xf32, #tpu.memory_space<hbm>>) target(%arg11 : memref<31232xf32, #tpu.memory_space<vmem>>) target_semaphore(%arg18 : memref<!tpu.dma_semaphore, #tpu.memory_space<semaphore_mem>>)
    } else {
    }
    %add3A_46 = arith.constant 31232 : i32
    %add3A_47 = arith.addi %mul3A_2, %add3A_46 : i32
    %dma_wait3A = arith.constant 0 : i32
    %dma_wait3A_48 = tpu.memref_slice %arg4[%dma_wait3A, %add3A_35] : memref<2x1000000xf32, #tpu.memory_space<hbm>> -> memref<1x31232xf32, #tpu.memory_space<hbm>>
    %dma_wait3A_49 = tpu.memref_squeeze %dma_wait3A_48 : memref<1x31232xf32, #tpu.memory_space<hbm>> -> memref<31232xf32, #tpu.memory_space<hbm>>
    %dma_wait3A_50 = tpu.memref_slice %arg4[%dma_wait3A, %add3A_35] : memref<2x1000000xf32, #tpu.memory_space<hbm>> -> memref<1x31232xf32, #tpu.memory_space<hbm>>
    %dma_wait3A_51 = tpu.memref_squeeze %dma_wait3A_50 : memref<1x31232xf32, #tpu.memory_space<hbm>> -> memref<31232xf32, #tpu.memory_space<hbm>>
    tpu.wait_dma2 semaphore(%arg17 : memref<!tpu.dma_semaphore, #tpu.memory_space<semaphore_mem>>) src(%dma_wait3A_51 : memref<31232xf32, #tpu.memory_space<hbm>>) dst(%arg10 : memref<31232xf32, #tpu.memory_space<vmem>>)
    %dma_start3A = tpu.memref_slice %arg9[%mul3A_2] : memref<1000000xf32, #tpu.memory_space<vmem_shared>> -> memref<31232xf32, #tpu.memory_space<vmem_shared>>
    %dma_start3A_52 = tpu.memref_slice %arg9[%mul3A_2] : memref<1000000xf32, #tpu.memory_space<vmem_shared>> -> memref<31232xf32, #tpu.memory_space<vmem_shared>>
    tpu.enqueue_dma source(%arg10 : memref<31232xf32, #tpu.memory_space<vmem>>) target(%dma_start3A_52 : memref<31232xf32, #tpu.memory_space<vmem_shared>>) target_semaphore(%arg19 : memref<!tpu.dma_semaphore, #tpu.memory_space<semaphore_mem>>)
    %dma_wait3A_53 = arith.constant 0 : i32
    %dma_wait3A_54 = tpu.memref_slice %arg4[%dma_wait3A_53, %add3A_47] : memref<2x1000000xf32, #tpu.memory_space<hbm>> -> memref<1x31232xf32, #tpu.memory_space<hbm>>
    %dma_wait3A_55 = tpu.memref_squeeze %dma_wait3A_54 : memref<1x31232xf32, #tpu.memory_space<hbm>> -> memref<31232xf32, #tpu.memory_space<hbm>>
    %dma_wait3A_56 = tpu.memref_slice %arg4[%dma_wait3A_53, %add3A_47] : memref<2x1000000xf32, #tpu.memory_space<hbm>> -> memref<1x31232xf32, #tpu.memory_space<hbm>>
    %dma_wait3A_57 = tpu.memref_squeeze %dma_wait3A_56 : memref<1x31232xf32, #tpu.memory_space<hbm>> -> memref<31232xf32, #tpu.memory_space<hbm>>
    tpu.wait_dma2 semaphore(%arg18 : memref<!tpu.dma_semaphore, #tpu.memory_space<semaphore_mem>>) src(%dma_wait3A_57 : memref<31232xf32, #tpu.memory_space<hbm>>) dst(%arg11 : memref<31232xf32, #tpu.memory_space<vmem>>)
    %add3A_58 = arith.constant 31232 : i32
    %add3A_59 = arith.addi %mul3A_2, %add3A_58 : i32
    %dma_start3A_60 = tpu.memref_slice %arg9[%add3A_59] : memref<1000000xf32, #tpu.memory_space<vmem_shared>> -> memref<31232xf32, #tpu.memory_space<vmem_shared>>
    %dma_start3A_61 = tpu.memref_slice %arg9[%add3A_59] : memref<1000000xf32, #tpu.memory_space<vmem_shared>> -> memref<31232xf32, #tpu.memory_space<vmem_shared>>
    tpu.enqueue_dma source(%arg11 : memref<31232xf32, #tpu.memory_space<vmem>>) target(%dma_start3A_61 : memref<31232xf32, #tpu.memory_space<vmem_shared>>) target_semaphore(%arg20 : memref<!tpu.dma_semaphore, #tpu.memory_space<semaphore_mem>>)
    %dma_wait3A_62 = tpu.memref_slice %arg9[%mul3A_2] : memref<1000000xf32, #tpu.memory_space<vmem_shared>> -> memref<31232xf32, #tpu.memory_space<vmem_shared>>
    %dma_wait3A_63 = tpu.memref_slice %arg9[%mul3A_2] : memref<1000000xf32, #tpu.memory_space<vmem_shared>> -> memref<31232xf32, #tpu.memory_space<vmem_shared>>
    tpu.wait_dma2 semaphore(%arg19 : memref<!tpu.dma_semaphore, #tpu.memory_space<semaphore_mem>>) src(%arg10 : memref<31232xf32, #tpu.memory_space<vmem>>) dst(%dma_wait3A_63 : memref<31232xf32, #tpu.memory_space<vmem_shared>>)
    %eq3A_64 = arith.constant 0 : i32
    %eq3A_65 = arith.cmpi eq, %arg0, %eq3A_64 : i32
    %convert_element_type3A_66 = arith.extui %eq3A_65 : i1 to i32
    %cond3A_67 = arith.constant 0 : i32
    %cond3A_68 = arith.cmpi ne, %convert_element_type3A_66, %cond3A_67 : i32
    scf.if %cond3A_68 {
      %add3A_150 = arith.constant 0 : i32
      %add3A_151 = arith.addi %mul3A_2, %add3A_150 : i32
      %dma_start3A_152 = arith.constant 1 : i32
      %dma_start3A_153 = tpu.memref_slice %arg4[%dma_start3A_152, %add3A_151] : memref<2x1000000xf32, #tpu.memory_space<hbm>> -> memref<1x31232xf32, #tpu.memory_space<hbm>>
      %dma_start3A_154 = tpu.memref_squeeze %dma_start3A_153 : memref<1x31232xf32, #tpu.memory_space<hbm>> -> memref<31232xf32, #tpu.memory_space<hbm>>
      %dma_start3A_155 = tpu.memref_slice %arg4[%dma_start3A_152, %add3A_151] : memref<2x1000000xf32, #tpu.memory_space<hbm>> -> memref<1x31232xf32, #tpu.memory_space<hbm>>
      %dma_start3A_156 = tpu.memref_squeeze %dma_start3A_155 : memref<1x31232xf32, #tpu.memory_space<hbm>> -> memref<31232xf32, #tpu.memory_space<hbm>>
      tpu.enqueue_dma source(%dma_start3A_156 : memref<31232xf32, #tpu.memory_space<hbm>>) target(%arg10 : memref<31232xf32, #tpu.memory_space<vmem>>) target_semaphore(%arg17 : memref<!tpu.dma_semaphore, #tpu.memory_space<semaphore_mem>>)
    } else {
    }
    %eq3A_69 = arith.constant 1 : i32
    %eq3A_70 = arith.cmpi eq, %arg0, %eq3A_69 : i32
    %convert_element_type3A_71 = arith.extui %eq3A_70 : i1 to i32
    %cond3A_72 = arith.constant 0 : i32
    %cond3A_73 = arith.cmpi ne, %convert_element_type3A_71, %cond3A_72 : i32
    scf.if %cond3A_73 {
      %add3A_150 = arith.constant 0 : i32
      %add3A_151 = arith.addi %mul3A_2, %add3A_150 : i32
      %dma_start3A_152 = arith.constant 1 : i32
      %dma_start3A_153 = tpu.memref_slice %arg5[%dma_start3A_152, %add3A_151] : memref<2x1000000xf32, #tpu.memory_space<hbm>> -> memref<1x31232xf32, #tpu.memory_space<hbm>>
      %dma_start3A_154 = tpu.memref_squeeze %dma_start3A_153 : memref<1x31232xf32, #tpu.memory_space<hbm>> -> memref<31232xf32, #tpu.memory_space<hbm>>
      %dma_start3A_155 = tpu.memref_slice %arg5[%dma_start3A_152, %add3A_151] : memref<2x1000000xf32, #tpu.memory_space<hbm>> -> memref<1x31232xf32, #tpu.memory_space<hbm>>
      %dma_start3A_156 = tpu.memref_squeeze %dma_start3A_155 : memref<1x31232xf32, #tpu.memory_space<hbm>> -> memref<31232xf32, #tpu.memory_space<hbm>>
      tpu.enqueue_dma source(%dma_start3A_156 : memref<31232xf32, #tpu.memory_space<hbm>>) target(%arg10 : memref<31232xf32, #tpu.memory_space<vmem>>) target_semaphore(%arg17 : memref<!tpu.dma_semaphore, #tpu.memory_space<semaphore_mem>>)
    } else {
    }
    %add3A_74 = arith.constant 0 : i32
    %add3A_75 = arith.addi %mul3A_2, %add3A_74 : i32
    %dma_wait3A_76 = tpu.memref_slice %arg9[%add3A_59] : memref<1000000xf32, #tpu.memory_space<vmem_shared>> -> memref<31232xf32, #tpu.memory_space<vmem_shared>>
    %dma_wait3A_77 = tpu.memref_slice %arg9[%add3A_59] : memref<1000000xf32, #tpu.memory_space<vmem_shared>> -> memref<31232xf32, #tpu.memory_space<vmem_shared>>
    tpu.wait_dma2 semaphore(%arg20 : memref<!tpu.dma_semaphore, #tpu.memory_space<semaphore_mem>>) src(%arg11 : memref<31232xf32, #tpu.memory_space<vmem>>) dst(%dma_wait3A_77 : memref<31232xf32, #tpu.memory_space<vmem_shared>>)
    %eq3A_78 = arith.constant 0 : i32
    %eq3A_79 = arith.cmpi eq, %arg0, %eq3A_78 : i32
    %convert_element_type3A_80 = arith.extui %eq3A_79 : i1 to i32
    %cond3A_81 = arith.constant 0 : i32
    %cond3A_82 = arith.cmpi ne, %convert_element_type3A_80, %cond3A_81 : i32
    scf.if %cond3A_82 {
      %add3A_150 = arith.constant 31232 : i32
      %add3A_151 = arith.addi %mul3A_2, %add3A_150 : i32
      %dma_start3A_152 = arith.constant 1 : i32
      %dma_start3A_153 = tpu.memref_slice %arg4[%dma_start3A_152, %add3A_151] : memref<2x1000000xf32, #tpu.memory_space<hbm>> -> memref<1x31232xf32, #tpu.memory_space<hbm>>
      %dma_start3A_154 = tpu.memref_squeeze %dma_start3A_153 : memref<1x31232xf32, #tpu.memory_space<hbm>> -> memref<31232xf32, #tpu.memory_space<hbm>>
      %dma_start3A_155 = tpu.memref_slice %arg4[%dma_start3A_152, %add3A_151] : memref<2x1000000xf32, #tpu.memory_space<hbm>> -> memref<1x31232xf32, #tpu.memory_space<hbm>>
      %dma_start3A_156 = tpu.memref_squeeze %dma_start3A_155 : memref<1x31232xf32, #tpu.memory_space<hbm>> -> memref<31232xf32, #tpu.memory_space<hbm>>
      tpu.enqueue_dma source(%dma_start3A_156 : memref<31232xf32, #tpu.memory_space<hbm>>) target(%arg11 : memref<31232xf32, #tpu.memory_space<vmem>>) target_semaphore(%arg18 : memref<!tpu.dma_semaphore, #tpu.memory_space<semaphore_mem>>)
    } else {
    }
    %eq3A_83 = arith.constant 1 : i32
    %eq3A_84 = arith.cmpi eq, %arg0, %eq3A_83 : i32
    %convert_element_type3A_85 = arith.extui %eq3A_84 : i1 to i32
    %cond3A_86 = arith.constant 0 : i32
    %cond3A_87 = arith.cmpi ne, %convert_element_type3A_85, %cond3A_86 : i32
    scf.if %cond3A_87 {
      %add3A_150 = arith.constant 31232 : i32
      %add3A_151 = arith.addi %mul3A_2, %add3A_150 : i32
      %dma_start3A_152 = arith.constant 1 : i32
      %dma_start3A_153 = tpu.memref_slice %arg5[%dma_start3A_152, %add3A_151] : memref<2x1000000xf32, #tpu.memory_space<hbm>> -> memref<1x31232xf32, #tpu.memory_space<hbm>>
      %dma_start3A_154 = tpu.memref_squeeze %dma_start3A_153 : memref<1x31232xf32, #tpu.memory_space<hbm>> -> memref<31232xf32, #tpu.memory_space<hbm>>
      %dma_start3A_155 = tpu.memref_slice %arg5[%dma_start3A_152, %add3A_151] : memref<2x1000000xf32, #tpu.memory_space<hbm>> -> memref<1x31232xf32, #tpu.memory_space<hbm>>
      %dma_start3A_156 = tpu.memref_squeeze %dma_start3A_155 : memref<1x31232xf32, #tpu.memory_space<hbm>> -> memref<31232xf32, #tpu.memory_space<hbm>>
      tpu.enqueue_dma source(%dma_start3A_156 : memref<31232xf32, #tpu.memory_space<hbm>>) target(%arg11 : memref<31232xf32, #tpu.memory_space<vmem>>) target_semaphore(%arg18 : memref<!tpu.dma_semaphore, #tpu.memory_space<semaphore_mem>>)
    } else {
    }
    %add3A_88 = arith.constant 31232 : i32
    %add3A_89 = arith.addi %mul3A_2, %add3A_88 : i32
    %eq3A_90 = arith.constant 0 : i32
    %eq3A_91 = arith.cmpi eq, %arg1, %eq3A_90 : i32
    %convert_element_type3A_92 = arith.extui %eq3A_91 : i1 to i32
    %cond3A_93 = arith.constant 0 : i32
    %cond3A_94 = arith.cmpi ne, %convert_element_type3A_92, %cond3A_93 : i32
    scf.if %cond3A_94 {
      %dma_wait3A_150 = arith.constant 0 : i32
      %dma_wait3A_151 = arith.constant 0 : i32
      %dma_wait3A_152 = tpu.memref_slice %arg6[%dma_wait3A_150, %dma_wait3A_151] : memref<2x640xf32, #tpu.memory_space<hbm>> -> memref<1x640xf32, #tpu.memory_space<hbm>>
      %dma_wait3A_153 = tpu.memref_squeeze %dma_wait3A_152 : memref<1x640xf32, #tpu.memory_space<hbm>> -> memref<640xf32, #tpu.memory_space<hbm>>
      %dma_wait3A_154 = arith.constant 0 : i32
      %dma_wait3A_155 = tpu.memref_slice %arg6[%dma_wait3A_150, %dma_wait3A_154] : memref<2x640xf32, #tpu.memory_space<hbm>> -> memref<1x640xf32, #tpu.memory_space<hbm>>
      %dma_wait3A_156 = tpu.memref_squeeze %dma_wait3A_155 : memref<1x640xf32, #tpu.memory_space<hbm>> -> memref<640xf32, #tpu.memory_space<hbm>>
      tpu.wait_dma2 semaphore(%arg22 : memref<!tpu.dma_semaphore, #tpu.memory_space<semaphore_mem>>) src(%dma_wait3A_156 : memref<640xf32, #tpu.memory_space<hbm>>) dst(%arg12 : memref<640xf32, #tpu.memory_space<vmem>>)
      %dma_wait3A_157 = arith.constant 1 : i32
      %dma_wait3A_158 = arith.constant 0 : i32
      %dma_wait3A_159 = tpu.memref_slice %arg6[%dma_wait3A_157, %dma_wait3A_158] : memref<2x640xf32, #tpu.memory_space<hbm>> -> memref<1x640xf32, #tpu.memory_space<hbm>>
      %dma_wait3A_160 = tpu.memref_squeeze %dma_wait3A_159 : memref<1x640xf32, #tpu.memory_space<hbm>> -> memref<640xf32, #tpu.memory_space<hbm>>
      %dma_wait3A_161 = arith.constant 0 : i32
      %dma_wait3A_162 = tpu.memref_slice %arg6[%dma_wait3A_157, %dma_wait3A_161] : memref<2x640xf32, #tpu.memory_space<hbm>> -> memref<1x640xf32, #tpu.memory_space<hbm>>
      %dma_wait3A_163 = tpu.memref_squeeze %dma_wait3A_162 : memref<1x640xf32, #tpu.memory_space<hbm>> -> memref<640xf32, #tpu.memory_space<hbm>>
      tpu.wait_dma2 semaphore(%arg22 : memref<!tpu.dma_semaphore, #tpu.memory_space<semaphore_mem>>) src(%dma_wait3A_163 : memref<640xf32, #tpu.memory_space<hbm>>) dst(%arg13 : memref<640xf32, #tpu.memory_space<vmem>>)
      "tpu.region"() ({
        %run_scoped3A = tpu.sem_alloc : memref<!tpu.dma_semaphore, #tpu.memory_space<semaphore_mem>>
        %dma_start3A_164 = arith.constant 999360 : i32
        %dma_start3A_165 = tpu.memref_slice %arg9[%dma_start3A_164] : memref<1000000xf32, #tpu.memory_space<vmem_shared>> -> memref<640xf32, #tpu.memory_space<vmem_shared>>
        %dma_start3A_166 = arith.constant 999360 : i32
        %dma_start3A_167 = tpu.memref_slice %arg9[%dma_start3A_166] : memref<1000000xf32, #tpu.memory_space<vmem_shared>> -> memref<640xf32, #tpu.memory_space<vmem_shared>>
        tpu.enqueue_dma source(%arg12 : memref<640xf32, #tpu.memory_space<vmem>>) target(%dma_start3A_167 : memref<640xf32, #tpu.memory_space<vmem_shared>>) target_semaphore(%run_scoped3A : memref<!tpu.dma_semaphore, #tpu.memory_space<semaphore_mem>>)
        %dma_wait3A_168 = arith.constant 999360 : i32
        %dma_wait3A_169 = tpu.memref_slice %arg9[%dma_wait3A_168] : memref<1000000xf32, #tpu.memory_space<vmem_shared>> -> memref<640xf32, #tpu.memory_space<vmem_shared>>
        %dma_wait3A_170 = arith.constant 999360 : i32
        %dma_wait3A_171 = tpu.memref_slice %arg9[%dma_wait3A_170] : memref<1000000xf32, #tpu.memory_space<vmem_shared>> -> memref<640xf32, #tpu.memory_space<vmem_shared>>
        tpu.wait_dma2 semaphore(%run_scoped3A : memref<!tpu.dma_semaphore, #tpu.memory_space<semaphore_mem>>) src(%arg12 : memref<640xf32, #tpu.memory_space<vmem>>) dst(%dma_wait3A_171 : memref<640xf32, #tpu.memory_space<vmem_shared>>)
        tpu.yield
      }) : () -> ()
    } else {
    }
    %barrier3A = arith.constant 0 : index
    tpu.barrier barrier_id(%barrier3A)
    %dma_start3A_95 = arith.constant 0 : i32
    %dma_start3A_96 = tpu.memref_slice %arg9[%dma_start3A_95] : memref<1000000xf32, #tpu.memory_space<vmem_shared>> -> memref<1000000xf32, #tpu.memory_space<vmem_shared>>
    tpu.enqueue_indirect_dma source(%dma_start3A_96 : memref<1000000xf32, #tpu.memory_space<vmem_shared>>) target(%arg15 : memref<1024xf32, #tpu.memory_space<vmem>>) offsets(%arg14 : memref<1024xi32, #tpu.memory_space<vmem>>) semaphore(%arg21 : memref<!tpu.dma_semaphore, #tpu.memory_space<semaphore_mem>>)
    %dma_wait3A_97 = arith.constant 0 : i32
    %dma_wait3A_98 = tpu.memref_slice %arg9[%dma_wait3A_97] : memref<1000000xf32, #tpu.memory_space<vmem_shared>> -> memref<1000000xf32, #tpu.memory_space<vmem_shared>>
    tpu.wait_indirect_dma semaphore(%arg21 : memref<!tpu.dma_semaphore, #tpu.memory_space<semaphore_mem>>) src(%dma_wait3A_98 : memref<1000000xf32, #tpu.memory_space<vmem_shared>>) dst(%arg15 : memref<1024xf32, #tpu.memory_space<vmem>>)
    %mul3A_99 = arith.constant 2 : i32
    %mul3A_100 = arith.muli %mul3A_99, %arg0 : i32
    %mul3A_101 = arith.constant 16384 : i32
    %mul3A_102 = arith.muli %mul3A_100, %mul3A_101 : i32
    %mul3A_103 = arith.constant 1024 : i32
    %mul3A_104 = arith.muli %arg1, %mul3A_103 : i32
    %add3A_105 = arith.addi %mul3A_102, %mul3A_104 : i32
    %dma_start3A_106 = tpu.memref_slice %arg8[%add3A_105] : memref<65536xf32, #tpu.memory_space<hbm>> -> memref<1024xf32, #tpu.memory_space<hbm>>
    %dma_start3A_107 = tpu.memref_slice %arg8[%add3A_105] : memref<65536xf32, #tpu.memory_space<hbm>> -> memref<1024xf32, #tpu.memory_space<hbm>>
    tpu.enqueue_dma source(%arg15 : memref<1024xf32, #tpu.memory_space<vmem>>) target(%dma_start3A_107 : memref<1024xf32, #tpu.memory_space<hbm>>) target_semaphore(%arg22 : memref<!tpu.dma_semaphore, #tpu.memory_space<semaphore_mem>>)
    %barrier3A_108 = arith.constant 0 : index
    tpu.barrier barrier_id(%barrier3A_108)
    %dma_wait3A_109 = arith.constant 1 : i32
    %dma_wait3A_110 = tpu.memref_slice %arg4[%dma_wait3A_109, %add3A_75] : memref<2x1000000xf32, #tpu.memory_space<hbm>> -> memref<1x31232xf32, #tpu.memory_space<hbm>>
    %dma_wait3A_111 = tpu.memref_squeeze %dma_wait3A_110 : memref<1x31232xf32, #tpu.memory_space<hbm>> -> memref<31232xf32, #tpu.memory_space<hbm>>
    %dma_wait3A_112 = tpu.memref_slice %arg4[%dma_wait3A_109, %add3A_75] : memref<2x1000000xf32, #tpu.memory_space<hbm>> -> memref<1x31232xf32, #tpu.memory_space<hbm>>
    %dma_wait3A_113 = tpu.memref_squeeze %dma_wait3A_112 : memref<1x31232xf32, #tpu.memory_space<hbm>> -> memref<31232xf32, #tpu.memory_space<hbm>>
    tpu.wait_dma2 semaphore(%arg17 : memref<!tpu.dma_semaphore, #tpu.memory_space<semaphore_mem>>) src(%dma_wait3A_113 : memref<31232xf32, #tpu.memory_space<hbm>>) dst(%arg10 : memref<31232xf32, #tpu.memory_space<vmem>>)
    %dma_start3A_114 = tpu.memref_slice %arg9[%mul3A_2] : memref<1000000xf32, #tpu.memory_space<vmem_shared>> -> memref<31232xf32, #tpu.memory_space<vmem_shared>>
    %dma_start3A_115 = tpu.memref_slice %arg9[%mul3A_2] : memref<1000000xf32, #tpu.memory_space<vmem_shared>> -> memref<31232xf32, #tpu.memory_space<vmem_shared>>
    tpu.enqueue_dma source(%arg10 : memref<31232xf32, #tpu.memory_space<vmem>>) target(%dma_start3A_115 : memref<31232xf32, #tpu.memory_space<vmem_shared>>) target_semaphore(%arg19 : memref<!tpu.dma_semaphore, #tpu.memory_space<semaphore_mem>>)
    %dma_wait3A_116 = arith.constant 1 : i32
    %dma_wait3A_117 = tpu.memref_slice %arg4[%dma_wait3A_116, %add3A_89] : memref<2x1000000xf32, #tpu.memory_space<hbm>> -> memref<1x31232xf32, #tpu.memory_space<hbm>>
    %dma_wait3A_118 = tpu.memref_squeeze %dma_wait3A_117 : memref<1x31232xf32, #tpu.memory_space<hbm>> -> memref<31232xf32, #tpu.memory_space<hbm>>
    %dma_wait3A_119 = tpu.memref_slice %arg4[%dma_wait3A_116, %add3A_89] : memref<2x1000000xf32, #tpu.memory_space<hbm>> -> memref<1x31232xf32, #tpu.memory_space<hbm>>
    %dma_wait3A_120 = tpu.memref_squeeze %dma_wait3A_119 : memref<1x31232xf32, #tpu.memory_space<hbm>> -> memref<31232xf32, #tpu.memory_space<hbm>>
    tpu.wait_dma2 semaphore(%arg18 : memref<!tpu.dma_semaphore, #tpu.memory_space<semaphore_mem>>) src(%dma_wait3A_120 : memref<31232xf32, #tpu.memory_space<hbm>>) dst(%arg11 : memref<31232xf32, #tpu.memory_space<vmem>>)
    %add3A_121 = arith.constant 31232 : i32
    %add3A_122 = arith.addi %mul3A_2, %add3A_121 : i32
    %dma_start3A_123 = tpu.memref_slice %arg9[%add3A_122] : memref<1000000xf32, #tpu.memory_space<vmem_shared>> -> memref<31232xf32, #tpu.memory_space<vmem_shared>>
    %dma_start3A_124 = tpu.memref_slice %arg9[%add3A_122] : memref<1000000xf32, #tpu.memory_space<vmem_shared>> -> memref<31232xf32, #tpu.memory_space<vmem_shared>>
    tpu.enqueue_dma source(%arg11 : memref<31232xf32, #tpu.memory_space<vmem>>) target(%dma_start3A_124 : memref<31232xf32, #tpu.memory_space<vmem_shared>>) target_semaphore(%arg20 : memref<!tpu.dma_semaphore, #tpu.memory_space<semaphore_mem>>)
    %dma_wait3A_125 = tpu.memref_slice %arg9[%mul3A_2] : memref<1000000xf32, #tpu.memory_space<vmem_shared>> -> memref<31232xf32, #tpu.memory_space<vmem_shared>>
    %dma_wait3A_126 = tpu.memref_slice %arg9[%mul3A_2] : memref<1000000xf32, #tpu.memory_space<vmem_shared>> -> memref<31232xf32, #tpu.memory_space<vmem_shared>>
    tpu.wait_dma2 semaphore(%arg19 : memref<!tpu.dma_semaphore, #tpu.memory_space<semaphore_mem>>) src(%arg10 : memref<31232xf32, #tpu.memory_space<vmem>>) dst(%dma_wait3A_126 : memref<31232xf32, #tpu.memory_space<vmem_shared>>)
    %dma_wait3A_127 = tpu.memref_slice %arg9[%add3A_122] : memref<1000000xf32, #tpu.memory_space<vmem_shared>> -> memref<31232xf32, #tpu.memory_space<vmem_shared>>
    %dma_wait3A_128 = tpu.memref_slice %arg9[%add3A_122] : memref<1000000xf32, #tpu.memory_space<vmem_shared>> -> memref<31232xf32, #tpu.memory_space<vmem_shared>>
    tpu.wait_dma2 semaphore(%arg20 : memref<!tpu.dma_semaphore, #tpu.memory_space<semaphore_mem>>) src(%arg11 : memref<31232xf32, #tpu.memory_space<vmem>>) dst(%dma_wait3A_128 : memref<31232xf32, #tpu.memory_space<vmem_shared>>)
    %eq3A_129 = arith.constant 0 : i32
    %eq3A_130 = arith.cmpi eq, %arg1, %eq3A_129 : i32
    %convert_element_type3A_131 = arith.extui %eq3A_130 : i1 to i32
    %cond3A_132 = arith.constant 0 : i32
    %cond3A_133 = arith.cmpi ne, %convert_element_type3A_131, %cond3A_132 : i32
    scf.if %cond3A_133 {
      "tpu.region"() ({
        %run_scoped3A = tpu.sem_alloc : memref<!tpu.dma_semaphore, #tpu.memory_space<semaphore_mem>>
        %dma_start3A_150 = arith.constant 999360 : i32
        %dma_start3A_151 = tpu.memref_slice %arg9[%dma_start3A_150] : memref<1000000xf32, #tpu.memory_space<vmem_shared>> -> memref<640xf32, #tpu.memory_space<vmem_shared>>
        %dma_start3A_152 = arith.constant 999360 : i32
        %dma_start3A_153 = tpu.memref_slice %arg9[%dma_start3A_152] : memref<1000000xf32, #tpu.memory_space<vmem_shared>> -> memref<640xf32, #tpu.memory_space<vmem_shared>>
        tpu.enqueue_dma source(%arg13 : memref<640xf32, #tpu.memory_space<vmem>>) target(%dma_start3A_153 : memref<640xf32, #tpu.memory_space<vmem_shared>>) target_semaphore(%run_scoped3A : memref<!tpu.dma_semaphore, #tpu.memory_space<semaphore_mem>>)
        %dma_wait3A_154 = arith.constant 999360 : i32
        %dma_wait3A_155 = tpu.memref_slice %arg9[%dma_wait3A_154] : memref<1000000xf32, #tpu.memory_space<vmem_shared>> -> memref<640xf32, #tpu.memory_space<vmem_shared>>
        %dma_wait3A_156 = arith.constant 999360 : i32
        %dma_wait3A_157 = tpu.memref_slice %arg9[%dma_wait3A_156] : memref<1000000xf32, #tpu.memory_space<vmem_shared>> -> memref<640xf32, #tpu.memory_space<vmem_shared>>
        tpu.wait_dma2 semaphore(%run_scoped3A : memref<!tpu.dma_semaphore, #tpu.memory_space<semaphore_mem>>) src(%arg13 : memref<640xf32, #tpu.memory_space<vmem>>) dst(%dma_wait3A_157 : memref<640xf32, #tpu.memory_space<vmem_shared>>)
        tpu.yield
      }) : () -> ()
    } else {
    }
    %barrier3A_134 = arith.constant 0 : index
    tpu.barrier barrier_id(%barrier3A_134)
    %dma_start3A_135 = arith.constant 0 : i32
    %dma_start3A_136 = tpu.memref_slice %arg9[%dma_start3A_135] : memref<1000000xf32, #tpu.memory_space<vmem_shared>> -> memref<1000000xf32, #tpu.memory_space<vmem_shared>>
    tpu.enqueue_indirect_dma source(%dma_start3A_136 : memref<1000000xf32, #tpu.memory_space<vmem_shared>>) target(%arg16 : memref<1024xf32, #tpu.memory_space<vmem>>) offsets(%arg14 : memref<1024xi32, #tpu.memory_space<vmem>>) semaphore(%arg21 : memref<!tpu.dma_semaphore, #tpu.memory_space<semaphore_mem>>)
    %dma_wait3A_137 = arith.constant 0 : i32
    %dma_wait3A_138 = tpu.memref_slice %arg9[%dma_wait3A_137] : memref<1000000xf32, #tpu.memory_space<vmem_shared>> -> memref<1000000xf32, #tpu.memory_space<vmem_shared>>
    tpu.wait_indirect_dma semaphore(%arg21 : memref<!tpu.dma_semaphore, #tpu.memory_space<semaphore_mem>>) src(%dma_wait3A_138 : memref<1000000xf32, #tpu.memory_space<vmem_shared>>) dst(%arg16 : memref<1024xf32, #tpu.memory_space<vmem>>)
    %mul3A_139 = arith.constant 2 : i32
    %mul3A_140 = arith.muli %mul3A_139, %arg0 : i32
    %add3A_141 = arith.constant 1 : i32
    %add3A_142 = arith.addi %mul3A_140, %add3A_141 : i32
    %mul3A_143 = arith.constant 16384 : i32
    %mul3A_144 = arith.muli %add3A_142, %mul3A_143 : i32
    %mul3A_145 = arith.constant 1024 : i32
    %mul3A_146 = arith.muli %arg1, %mul3A_145 : i32
    %add3A_147 = arith.addi %mul3A_144, %mul3A_146 : i32
    "tpu.region"() ({
      %run_scoped3A = tpu.sem_alloc : memref<!tpu.dma_semaphore, #tpu.memory_space<semaphore_mem>>
      %dma_start3A_150 = tpu.memref_slice %arg8[%add3A_147] : memref<65536xf32, #tpu.memory_space<hbm>> -> memref<1024xf32, #tpu.memory_space<hbm>>
      %dma_start3A_151 = tpu.memref_slice %arg8[%add3A_147] : memref<65536xf32, #tpu.memory_space<hbm>> -> memref<1024xf32, #tpu.memory_space<hbm>>
      tpu.enqueue_dma source(%arg16 : memref<1024xf32, #tpu.memory_space<vmem>>) target(%dma_start3A_151 : memref<1024xf32, #tpu.memory_space<hbm>>) target_semaphore(%run_scoped3A : memref<!tpu.dma_semaphore, #tpu.memory_space<semaphore_mem>>)
      %dma_wait3A_152 = tpu.memref_slice %arg8[%add3A_147] : memref<65536xf32, #tpu.memory_space<hbm>> -> memref<1024xf32, #tpu.memory_space<hbm>>
      %dma_wait3A_153 = tpu.memref_slice %arg8[%add3A_147] : memref<65536xf32, #tpu.memory_space<hbm>> -> memref<1024xf32, #tpu.memory_space<hbm>>
      tpu.wait_dma2 semaphore(%run_scoped3A : memref<!tpu.dma_semaphore, #tpu.memory_space<semaphore_mem>>) src(%arg16 : memref<1024xf32, #tpu.memory_space<vmem>>) dst(%dma_wait3A_153 : memref<1024xf32, #tpu.memory_space<hbm>>)
      tpu.yield
    }) : () -> ()
    %dma_wait3A_148 = tpu.memref_slice %arg8[%add3A_105] : memref<65536xf32, #tpu.memory_space<hbm>> -> memref<1024xf32, #tpu.memory_space<hbm>>
    %dma_wait3A_149 = tpu.memref_slice %arg8[%add3A_105] : memref<65536xf32, #tpu.memory_space<hbm>> -> memref<1024xf32, #tpu.memory_space<hbm>>
    tpu.wait_dma2 semaphore(%arg22 : memref<!tpu.dma_semaphore, #tpu.memory_space<semaphore_mem>>) src(%arg15 : memref<1024xf32, #tpu.memory_space<vmem>>) dst(%dma_wait3A_149 : memref<1024xf32, #tpu.memory_space<hbm>>)
    return
  }
}

module attributes {stable_mosaic.version = 14 : i64} {
  func.func @body(%arg0: memref<4x128x128xf32, #tpu.memory_space<vmem>>, %arg1: memref<128x128xf32, #tpu.memory_space<vmem>>) attributes {dimension_semantics = [], scalar_prefetch = 0 : i64, scratch_operands = 0 : i64, tpu.core_type = #tpu.core_type<tc>} {
    %get3A = arith.constant 0 : index
    %get3A_0 = arith.constant 0 : index
    %get3A_1 = arith.constant 0 : index
    %get3A_2 = vector.load %arg0[%get3A, %get3A_0, %get3A_1] : memref<4x128x128xf32, #tpu.memory_space<vmem>>, vector<1x128x128xf32>
    %get3A_3 = vector.shape_cast %get3A_2 : vector<1x128x128xf32> to vector<128x128xf32>
    %get3A_4 = arith.constant 2 : index
    %get3A_5 = arith.constant 0 : index
    %get3A_6 = arith.constant 0 : index
    %get3A_7 = vector.load %arg0[%get3A_4, %get3A_5, %get3A_6] : memref<4x128x128xf32, #tpu.memory_space<vmem>>, vector<1x128x128xf32>
    %get3A_8 = vector.shape_cast %get3A_7 : vector<1x128x128xf32> to vector<128x128xf32>
    %mul3A = arith.mulf %get3A_3, %get3A_8 : vector<128x128xf32>
    %get3A_9 = arith.constant 1 : index
    %get3A_10 = arith.constant 0 : index
    %get3A_11 = arith.constant 0 : index
    %get3A_12 = vector.load %arg0[%get3A_9, %get3A_10, %get3A_11] : memref<4x128x128xf32, #tpu.memory_space<vmem>>, vector<1x128x128xf32>
    %get3A_13 = vector.shape_cast %get3A_12 : vector<1x128x128xf32> to vector<128x128xf32>
    %get3A_14 = arith.constant 3 : index
    %get3A_15 = arith.constant 0 : index
    %get3A_16 = arith.constant 0 : index
    %get3A_17 = vector.load %arg0[%get3A_14, %get3A_15, %get3A_16] : memref<4x128x128xf32, #tpu.memory_space<vmem>>, vector<1x128x128xf32>
    %get3A_18 = vector.shape_cast %get3A_17 : vector<1x128x128xf32> to vector<128x128xf32>
    %mul3A_19 = arith.mulf %get3A_13, %get3A_18 : vector<128x128xf32>
    %add3A = arith.addf %mul3A, %mul3A_19 : vector<128x128xf32>
    %swap3A = arith.constant 0 : index
    %swap3A_20 = arith.constant 0 : index
    %swap3A_21 = vector.load %arg1[%swap3A, %swap3A_20] : memref<128x128xf32, #tpu.memory_space<vmem>>, vector<128x128xf32>
    tpu.vector_store %arg1[%swap3A, %swap3A_20], %add3A {strides = array<i32>} : memref<128x128xf32, #tpu.memory_space<vmem>>, vector<128x128xf32>,
    return
  }
}

</mosaic_0001>

<sc_bundles>
// kernel: kernel.4.cloned.1.call-start
scs
__scs_entry_jumppad:
0x0: {  	(pc) =	sbr.rel $0x88, $3  }
0x1: {  	(tag) =	ssettag $0x0;
	lr =	simm.s32 $0x1  }
0x2: {  	[smem:$0x3F9D] =	sst lr;
	_ =	strace $0xD0000000  }
0x3: {  	_ = 	snop  }
0x4: {  	_ = 	snop  }
0x5: {  	_ = 	snop  }
0x6: {  	_ = 	snop  }
0x7: {  	_ = 	snop  }
__scs_overlays_trampoline_lowered:
0x8: {  	[smem:$0x3FAC] =	sst s0  }
0x9: {  	[smem:$0x3FAD] =	sst s1  }
0xa: {  	[smem:$0x3FAE] =	sst s2  }
0xb: {  	[smem:$0x3FAF] =	sst s3  }
0xc: {  	[smem:$0x3FB0] =	sst s4  }
0xd: {  	[smem:$0x3FB1] =	sst s5  }
0xe: {  	[smem:$0x3FB2] =	sst s6  }
0xf: {  	[smem:$0x3FB3] =	sst s7  }
0x10: {  	[smem:$0x3FB4] =	sst s8  }
0x11: {  	[smem:$0x3FB5] =	sst s9;
	s0 =	simm.s32 @!p0 $0x0  }
0x12: {  	s1 =	sld [smem:$0x3F9B];
	s0 =	simm.s32 @p0 $0x1  }
0x13: {  	[smem:$0x3FB6] =	sst s0;
	s0 =	simm.s32 @!p1 $0x0  }
0x14: {  	s2 =	sld [smem:$0x3F9A];
	s0 =	simm.s32 @p1 $0x1  }
0x15: {  	[smem:$0x3FB7] =	sst s0;
	s0 =	simm.s32 @!p2 $0x0  }
0x16: {  	s3 =	sld [smem:$0x3FDB];
	s0 =	simm.s32 @p2 $0x1  }
0x17: {  	s4 =	simm.s32 $0x1BF5;
	[smem:$0x3FB9] =	sst s0  }
0x18: {  	s0 =	sld [smem:$0x3F9C];
	_ =	swait.ge [sflag:s4], $0x0  }
0x19: {  	s7 =	sld [smem:$0x3F9D]  }
0x1a: {  	s8 =	sadd.s32 $0xFFFFE003, lr  }
0x1b: {  	s9 =	sadd.s32 $0xFFFFFEF7, lr;
	s5 =	simm.s32 $0xFFFFFFFF;
	p2 =	slt.u32 s8, $0xFFFFF086  }
0x1c: {  	p1 =	slt.u32 s9, $0xF7A;
	s5 =	simm.s32 @!p2 $0x0  }
0x1d: {  	s5 =	simm.s32 @p1 $0x1;
	p0 =	seq.s32 s7, s2  }
0x1e: {  	s7 =	smul.u32 @!p0 $0xF7A, s2;
	p2 =	seq.s32 @!p0 s5, $0x0  }
0x1f: {  	s9 =	smul.u32 $0xF7A, s1;
	s8 =	simm.s32 @!p0 $0x1BF5;
	p2 =	por !p2, p0  }
0x20: {  	[sflag:s8] =	ssyncset.s32 @!p0 $0xFFFFF086;
	s6 =	sadd.s32 @!p0 s3, s7;
	s7 =	simm.s32 @!p0 $0x108  }
0x21: {  	s3 =	sadd.s32 s3, s9;
	s6 =	sadd.s32 @!p0 $0x88, s6;
	s7 =	simm.s32 @p2 $0x1082  }
0x22: {  	[simem:s7], [sflag:s8] =	dma.local @!p0 [hbm:s6], $0xF7A  }
0x23: {  	s9 =	sor.u32 $0xD0000000, s2;
	s6 =	simm.s32 $0x108;
	_ =	swait.ge @!p0 [sflag:s8], $0x0  }
0x24: {  	s3 =	sadd.s32 $0x88, s3;
	s6 =	simm.s32 @!p1 $0x1082;
	[sflag:s4] =	ssyncset.s32 $0xFFFFF086  }
0x25: {  	[simem:s6], [sflag:s4] =	dma.local [hbm:s3], $0xF7A  }
0x26: {  	[smem:$0x3F9D] =	sst s1;
	(tag) =	ssettag s2;
	_ =	strace s9  }
0x27: {  	s1 =	sld [smem:$0x3FAD]  }
0x28: {  	s2 =	sld [smem:$0x3FAE]  }
0x29: {  	s4 =	sld [smem:$0x3FB0]  }
0x2a: {  	p0 =	seq.s32 s5, $0x0;
	s5 =	sld [smem:$0x3FB1]  }
0x2b: {  	s6 =	sld [smem:$0x3FB2]  }
0x2c: {  	s7 =	sld [smem:$0x3FB3]  }
0x2d: {  	s3 =	simm.s32 $0x108;
	s8 =	sld [smem:$0x3FB4]  }
0x2e: {  	s3 =	simm.s32 @!p0 $0x1082;
	s9 =	sld [smem:$0x3FB5]  }
0x2f: {  	lr =	sadd.s32 s0, s3;
	s0 =	sld [smem:$0x3FAC]  }
0x30: {  	s3 =	sld [smem:$0x3FAF]  }
0x31: {  	[smem:$0x3FB8] =	sst s10  }
0x32: {  	s10 =	sld [smem:$0x3FB6];
	_ =	sdelay $0x3  }
0x33: {  	p0 =	seq.s32 s10, $0x1;
	s10 =	sld [smem:$0x3FB8];
	_ =	sdelay $0x3  }
0x34: {  	[smem:$0x3FB8] =	sst s10  }
0x35: {  	s10 =	sld [smem:$0x3FB7];
	_ =	sdelay $0x3  }
0x36: {  	p1 =	seq.s32 s10, $0x1;
	s10 =	sld [smem:$0x3FB8];
	_ =	sdelay $0x3  }
0x37: {  	[smem:$0x3FB8] =	sst s10  }
0x38: {  	s10 =	sld [smem:$0x3FB9]  }
0x39: {  	_ = 	snop;
	(pc) =	sbr.ind lr, $3  }
0x3a: {  	_ = 	snop  }
0x3b: {  	_ = 	snop  }
0x3c: {  	p2 =	seq.s32 s10, $0x1;
	s10 =	sld [smem:$0x3FB8]  }
0x3d: {  	_ =	shalt  }
0x3e: {  	_ =	shalt  }
0x3f: {  	_ =	shalt  }
0x40: {  	_ =	shalt  }
0x41: {  	_ =	shalt  }
0x42: {  	_ =	shalt  }
0x43: {  	_ =	shalt  }
0x44: {  	_ =	shalt  }
0x45: {  	_ =	shalt  }
0x46: {  	_ =	shalt  }
0x47: {  	_ =	shalt  }
0x48: {  	_ =	shalt  }
0x49: {  	_ =	shalt  }
0x4a: {  	_ =	shalt  }
0x4b: {  	_ =	shalt  }
0x4c: {  	_ =	shalt  }
0x4d: {  	_ =	shalt  }
0x4e: {  	_ =	shalt  }
0x4f: {  	_ =	shalt  }
0x50: {  	_ =	shalt  }
0x51: {  	_ =	shalt  }
0x52: {  	_ =	shalt  }
0x53: {  	_ =	shalt  }
0x54: {  	_ =	shalt  }
0x55: {  	_ =	shalt  }
0x56: {  	_ =	shalt  }
0x57: {  	_ =	shalt  }
0x58: {  	_ =	shalt  }
0x59: {  	_ =	shalt  }
0x5a: {  	_ =	shalt  }
0x5b: {  	_ =	shalt  }
0x5c: {  	_ =	shalt  }
0x5d: {  	_ =	shalt  }
0x5e: {  	_ =	shalt  }
0x5f: {  	_ =	shalt  }
0x60: {  	_ =	shalt  }
0x61: {  	_ =	shalt  }
0x62: {  	_ =	shalt  }
0x63: {  	_ =	shalt  }
0x64: {  	_ =	shalt  }
0x65: {  	_ =	shalt  }
0x66: {  	_ =	shalt  }
0x67: {  	_ =	shalt  }
0x68: {  	_ =	shalt  }
0x69: {  	_ =	shalt  }
0x6a: {  	_ =	shalt  }
0x6b: {  	_ =	shalt  }
0x6c: {  	_ =	shalt  }
0x6d: {  	_ =	shalt  }
0x6e: {  	_ =	shalt  }
0x6f: {  	_ =	shalt  }
0x70: {  	_ =	shalt  }
0x71: {  	_ =	shalt  }
0x72: {  	_ =	shalt  }
0x73: {  	_ =	shalt  }
0x74: {  	_ =	shalt  }
0x75: {  	_ =	shalt  }
0x76: {  	_ =	shalt  }
0x77: {  	_ =	shalt  }
0x78: {  	_ =	shalt  }
0x79: {  	_ =	shalt  }
0x7a: {  	_ =	shalt  }
0x7b: {  	_ =	shalt  }
0x7c: {  	_ =	shalt  }
0x7d: {  	_ =	shalt  }
0x7e: {  	_ =	shalt  }
0x7f: {  	_ =	shalt  }
0x80: {  	_ =	shalt  }
0x81: {  	_ =	shalt  }
0x82: {  	_ =	shalt  }
0x83: {  	_ =	shalt  }
0x84: {  	_ =	shalt  }
0x85: {  	_ =	shalt  }
0x86: {  	_ =	shalt  }
0x87: {  	_ =	shalt  }
.Lfunc_end0:
.L_simem_size_0:
called_computation_lowered:
.L_overlay_start_0:
0x88: {  	s2 =	sld [smem:$0x3FD9]  }
0x89: {  	s3 =	sld [smem:$0x3FFE];
	_ =	sdelay $0x1  }
0x8a: {  	s1 =	srdreg.scid  }
0x8b: {  	s0 =	sand.u32 $0x1, s1  }
0x8c: {  	s17 =	sshll.u32 s0, $0xA;
	s2 =	sadd.s32 s3, s2  }
0x8d: {  	s2 =	sadd.s32 s2, s17  }
0x8e: {  	[smem:$0x3FC4] =	sst s2  }
0x8f: {  	_ = 	snop  }
0x90: {  	s2 =	sld [smem:$0x3FC9]  }
0x91: {  	s18 =	sld [smem:$0x3FC8]  }
0x92: {  	s4 =	sld [smem:$0x3FC7]  }
0x93: {  	s5 =	sld [smem:$0x3FC6]  }
0x94: {  	s6 =	sld [smem:$0x3FD0];
	(tm) =	ssettm $0x1  }
0x95: {  	s7 =	sld [smem:$0x3FFB];
	_ =	sdelay $0x3  }
0x96: {  	_ =	strace s7  }
0x97: {  	s7 =	sld [smem:$0x3FFC];
	_ =	sdelay $0x3  }
0x98: {  	_ =	strace s7  }
0x99: {  	s7 =	sld [smem:$0x3FFD];
	_ =	sdelay $0x3  }
0x9a: {  	_ =	strace s7  }
0x9b: {  	_ =	strace $0x8FFFFFFF  }
0x9c: {  	s19 =	sld [smem:$0x3FDB];
	_ =	sdelay $0x1  }
0x9d: {  	s8 =	simm.s32 $_scs_section_size  }
0x9e: {  	s9 =	simm.s32 $_size__tile_overlayer_lowered;
	s10 =	simm.s32 $_tile_overlayer_lowered  }
0x9f: {  	s22 =	simm.s32 $0x1BFF;
	s21 =	sshll.u32 s10, $0x1;
	s7 =	sadd.s32 s8, s19  }
0xa0: {  	s11 =	simm.s32 $0x0;
	s20 =	sshll.u32 s9, $0x1;
	s9 =	sadd.s32 s21, s7  }
0xa1: {  	[timem:s11], [sflag:s22] =	dma.local [hbm:s9], s20  }
0xa2: {  	_ =	swait.ge [sflag:s22], s20  }
0xa3: {  	s8 =	ssub.s32 $0x0, s20;
	[sflag:s22] =	ssyncset.done $0x0  }
0xa4: {  	[sflag:s22] =	ssyncadd.s32 s8;
	_ =	sdelay $0x1  }
0xa5: {  	s23 =	simm.s32 $0x1B8B  }
0xa6: {  	_ =	swait.ge [sflag:s23], $0x1  }
0xa7: {  	[sflag:s23] =	ssyncset.done $0x0  }
0xa8: {  	s25 =	simm.s32 $0x1B8E;
	s24 =	sld [smem:$0x3FFE];
	[sflag:s23] =	ssyncadd.s32 $0xFFFFFFFF  }
0xa9: {  	s26 =	simm.s32 $execute0_lowered;
	[smem:$0x3FD2] =	sst s25  }
0xaa: {  	s9 =	sshll.u32 s26, $0x1;
	_ =	strace $0x80000046;
	[dreg:$0x1] =	wrdreg $0xFFFFFFFF  }
0xab: {  	s28 =	simm.s32 $_size_execute0_lowered;
	s7 =	sadd.s32 s7, s9;
	[dreg:$0x0] =	wrdreg $0x0  }
0xac: {  	s9 =	sshll.u32 s28, $0x1;
	[dreg:$0x2] =	wrdreg s7  }
0xad: {  	[dreg:$0x3] =	wrdreg s9  }
0xae: {  	[dreg:$0x4] =	wrdreg $0xC0  }
0xaf: {  	_ =	task [dreg:s11], $0x5FFFF  }
0xb0: {  	[dreg:$0x1] =	wrdreg $0xFFFFFFFF  }
0xb1: {  	[dreg:$0x0] =	wrdreg $0x60  }
0xb2: {  	[dreg:$0x2] =	wrdreg s2  }
0xb3: {  	[dreg:$0x3] =	wrdreg s18  }
0xb4: {  	[dreg:$0x4] =	wrdreg s4  }
0xb5: {  	[dreg:$0x5] =	wrdreg s5  }
0xb6: {  	[dreg:$0x6] =	wrdreg s24  }
0xb7: {  	[dreg:$0x7] =	wrdreg s6  }
0xb8: {  	[dreg:$0x8] =	wrdreg $0x0  }
0xb9: {  	[dreg:$0x9] =	wrdreg $0x9  }
0xba: {  	_ =	task.clear_ibuf [dreg:s11], $0xAFFFF;
	_ =	strace $0x90000046  }
0xbb: {  	s29 =	simm.s32 $0x9;
	_ =	strace $0x80000048  }
0xbc: {  	_ =	swait.ge [sflag:s29], $0x1  }
0xbd: {  	[sflag:s29] =	ssyncadd.s32 $0xFFFFFFFF  }
0xbe: {  	_ =	strace $0x90000048  }
0xbf: {  	_ =	sfence  }
0xc0: {  	s30 =	sld [smem:$0x0];
	_ =	sdelay $0x2  }
0xc1: {  	s31 =	sshll.u32 s1, $0xD;
	s1 =	sshrl.u32 s1, $0x2  }
0xc2: {  	s3 =	sand.u32 $0x4000, s31;
	s1 =	sadd.s32 s1, s30  }
0xc3: {  	s0 =	sor.u32 s3, s0;
	s1 =	sshll.u32 s1, $0x11  }
0xc4: {  	s0 =	sor.u32 s1, s0  }
0xc5: {  	s0 =	sadd.s32 $0x8F2B, s0  }
0xc6: {  	[sflag:s0] =	ssyncadd.remote.s32 $0x1  }
0xc7: {  	_ =	sfence.sel $0xFFFF  }
0xc8: {  	[dreg:$0x0] =	wrdreg $0xFFFFFFFF;
	(pc) =	sbr.abs _section_cstart, $3  }
0xc9: {  	[dreg:$0x1] =	wrdreg $0xFFFFFFFF  }
0xca: {  	_ =	task.clear_ibuf [dreg:s11], $0x2FFFF;
	_ =	strace $0x9FFFFFFF  }
0xcb: {  	(tm) =	ssettm $0x7FFFFFFF  }
tec
execute0_lowered:
.L_overlay_start_1:
0x0: {  	(tag) =	ssettag $0x1  }
0x1: {  	s1 =	rddreg [dreg:$0x0]  }
0x2: {  	s2 =	rddreg [dreg:$0x1]  }
0x3: {  	s3 =	rddreg [dreg:$0x2]  }
0x4: {  	s4 =	rddreg [dreg:$0x3]  }
0x5: {  	s5 =	rddreg [dreg:$0x4]  }
0x6: {  	s21 =	rddreg [dreg:$0x5]  }
0x7: {  	s18 =	rddreg [dreg:$0x6]  }
0x8: {  	s22 =	rddreg [dreg:$0x7];
	s0 =	simm.s32 $0x0  }
0x9: {  	s6 =	srdreg.scid;
	s28 =	simm.s32 $0x1F128;
	p5 =	por $0x0, $0x0  }
0xa: {  	[smem:$0x7FF] =	sst s0;
	s0 =	stileid.u32;
	s6 =	sand.u32 $0x1, s6  }
0xb: {  	s7 =	sadd.s32 $0x800, s5;
	s29 =	sadd.s32 $0x810, s5;
	s12 =	sadd.s32 $0x10, s21  }
0xc: {  	s20 =	sadd.s32 $0x10, s3;
	_ =	strace $0x80000047;
	s8 =	sshll.u32 s0, $0x7  }
0xd: {  	s9 =	sshll.u32 s6, $0xC;
	[dreg:$0x8] =	wrdreg s7;
	s26 =	smul.u32 $0x3D00, s0  }
0xe: {  	s24 =	ssub.s32 $0x2, s6;
	s30 =	smul.u32 $0x1E800, s0;
	[dreg:$0xb] =	wrdreg s29  }
0xf: {  	[dreg:$0xc] =	wrdreg s12;
	s16 =	smul.u32 $0xF400, s0;
	p1 =	seq.s32 s6, $0x1  }
0x10: {  	p0 =	seq.s32 s0, $0x0;
	s11 =	sor.u32 s6, s0;
	p2 =	sne.s32 s6, $0x0  }
0x11: {  	s12 =	simm.s32 $0x4;
	s6 =	simm.s32 $0x5;
	s23 =	sor.u32 s8, s9  }
0x12: {  	s10 =	sshrl.u32 s24, $0x1;
	s1 =	sadd.s32 s1, s8;
	s25 =	sadd.s32 s2, s8  }
0x13: {  	p0 =	por !p0, !p1;
	p4 =	sne.s32 s11, $0x0;
	[dreg:$0x9] =	wrdreg s1  }
0x14: {  	s7 =	sadd.s32 s23, s5;
	[dreg:$0xa] =	wrdreg s25;
	s31 =	ssub.s32 s24, s10  }
0x15: {  	s13 =	sadd.s32 s3, s26;
	s5 =	sshrl.u32 s30, $0x3;
	s14 =	sadd.s32 s4, s26  }
0x16: {  	s23 =	sadd.s32 $0x7A00, s16;
	p3 =	por !p0, !p0;
	s10 =	sadd.s32 s16, s18  }
0x17: {  	p0 =	sne.s32 s0, $0x0;
	[dreg:$0xd] =	wrdreg s13;
	s15 =	sadd.s32 $0x1E80, s5  }
0x18: {  	[dreg:$0xe] =	wrdreg s14;
	s25 =	sshrl.u32 s23, $0x2;
	s29 =	sadd.s32 $0xA00, s7  }
0x19: {  	s30 =	sadd.s32 $0x1200, s7;
	s7 =	sadd.s32 s23, s18;
	s31 =	smax.u32 s31, $0x1  }
0x1a: {  	s13 =	simm.s32 $0x3;
	s23 =	simm.s32 $0x1F528;
	s11 =	rddreg [dreg:$0x9]  }
0x1b: {  	s17 =	sadd.s32 s3, s15;
	s19 =	sadd.s32 s4, s15;
	[dreg:$0x15] =	wrdreg s29  }
0x1c: {  	s3 =	sadd.s32 s5, s20;
	s4 =	sadd.s32 $0x10, s4;
	[dreg:$0x16] =	wrdreg s30  }
0x1d: {  	s1 =	sadd.s32 s25, s20;
	s16 =	sadd.s32 $0xFFFFFFFF, s31;
	[dreg:$0xf] =	wrdreg s17  }
0x1e: {  	s15 =	simm.s32 $0x2;
	[dreg:$0x10] =	wrdreg s19;
	p6 =	sne.s32 s16, $0x0  }
.Ltmp0:
0x1f: {  	[dreg:$0x11] =	wrdreg s3;
	s24 =	sadd.s32 s5, s4;
	(pc) =	sbr.rel @!p6 .LBB2_5-.Ltmp0, $4  }
0x20: {  	[dreg:$0x13] =	wrdreg s1;
	s26 =	sadd.s32 s25, s4;
	s3 =	sadd.s32 $0xF3FC0, s18  }
0x21: {  	s17 =	simm.s32 $0x1;
	s25 =	simm.s32 $0x16E28;
	s19 =	simm.s32 $0x400  }
0x22: {  	s5 =	simm.s32 $0x7;
	s4 =	simm.s32 $0x6;
	[dreg:$0x12] =	wrdreg s24  }
0x23: {  	[dreg:$0x14] =	wrdreg s26;
	s26 =	simm.s32 $0xF428;
	s24 =	simm.s32 $0x1ED28  }
0x24: {  	s0 =	simm.s32 @!p2 $0x0;
	s1 =	simm.s32 @!p2 $0x1ED28;
	s22 =	simm.s32 @!p2 $0x7  }
0x25: {  	[tilespmem:s1], [sflag:$0x7] =	stream.linear.gather @!p2 [hbm4b:s11+s0], $0x400, $0x38;
	[tilespmem:$0x1F928] =	vst v63  }
0x26: {  	_ =	swait.ge @!p2 [sflag:s22], $0x400  }
0x27: {  	s23 =	simm.s32 @p1 $0x7;
	s2 =	simm.s32 @p1 $0x1ED28;
	[sflag:s22] =	ssyncset.done @!p2 $0x0  }
0x28: {  	s1 =	simm.s32 @p1 $0x0;
	s0 =	rddreg [dreg:$0xa];
	[sflag:s22] =	ssyncadd.s32 @!p2 $0xFFFFFC00  }
0x29: {  	[tilespmem:s2], [sflag:$0x7] =	stream.linear.gather @p1 [hbm4b:s0+s1], $0x400, $0x38;
	[tilespmem:$0x1F928] =	vst v63  }
0x2a: {  	_ =	swait.ge @p1 [sflag:s23], $0x400  }
0x2b: {  	s8 =	simm.s32 @!p4 $0x100;
	s11 =	simm.s32 @!p4 $0x80;
	[sflag:s23] =	ssyncset.done @p1 $0x0  }
0x2c: {  	s2 =	simm.s32 @!p4 $0x1E828;
	s0 =	rddreg [dreg:$0x8];
	[sflag:s23] =	ssyncadd.s32 @p1 $0xFFFFFC00  }
0x2d: {  	[tilespmem:s2], [sflag:$0x6] =	stream.strided.gather @!p4 [hbm4b:s0+s11], $0x280, s8, s11, $0x38;
	[tilespmem:$0x1F928] =	vst v63  }
0x2e: {  	s9 =	simm.s32 @p1 $0xF428;
	s1 =	rddreg [dreg:$0xb];
	s0 =	simm.s32 @!p4 $0x1EAA8  }
0x2f: {  	[tilespmem:s0], [sflag:$0x6] =	stream.strided.gather @!p4 [hbm4b:s1+s11], $0x280, s8, s11, $0x38;
	[tilespmem:$0x1F928] =	vst v63  }
0x30: {  	s20 =	simm.s32 @p3 $0x100;
	s2 =	simm.s32 @p3 $0x1E828;
	s8 =	simm.s32 @p3 $0x80  }
0x31: {  	[tilespmem:s2], [sflag:$0x6] =	stream.strided.gather @p3 [hbm4b:s21+s8], $0x280, s20, s8, $0x38;
	[tilespmem:$0x1F928] =	vst v63  }
0x32: {  	s24 =	simm.s32 @!p2 $0xF428;
	s1 =	rddreg [dreg:$0xc];
	s0 =	simm.s32 @p3 $0x1EAA8  }
0x33: {  	[tilespmem:s0], [sflag:$0x6] =	stream.strided.gather @p3 [hbm4b:s1+s8], $0x280, s20, s8, $0x38;
	[tilespmem:$0x1F928] =	vst v63  }
0x34: {  	s25 =	simm.s32 @!p2 $0x80;
	s28 =	simm.s32 @!p2 $0x100;
	s2 =	rddreg [dreg:$0xd]  }
0x35: {  	[tilespmem:s24], [sflag:$0x1] =	stream.strided.gather @!p2 [hbm4b:s2+s25], $0x7A00, s28, s25, $0x38;
	[tilespmem:$0x1F928] =	vst v63  }
0x36: {  	s30 =	simm.s32 @p1 $0x80;
	s31 =	simm.s32 @p1 $0x100;
	s1 =	rddreg [dreg:$0xe]  }
0x37: {  	[tilespmem:s9], [sflag:$0x1] =	stream.strided.gather @p1 [hbm4b:s1+s30], $0x7A00, s31, s30, $0x38;
	[tilespmem:$0x1F928] =	vst v63  }
0x38: {  	s21 =	simm.s32 @!p2 $0x16E28;
	s2 =	rddreg [dreg:$0xf]  }
0x39: {  	[tilespmem:s21], [sflag:$0x2] =	stream.strided.gather @!p2 [hbm4b:s2+s25], $0x7A00, s28, s25, $0x38;
	[tilespmem:$0x1F928] =	vst v63  }
0x3a: {  	s8 =	rddreg [dreg:$0x10];
	s1 =	simm.s32 @p1 $0x16E28  }
0x3b: {  	[tilespmem:s1], [sflag:$0x2] =	stream.strided.gather @p1 [hbm4b:s8+s30], $0x7A00, s31, s30, $0x38;
	[tilespmem:$0x1F928] =	vst v63  }
0x3c: {  	_ =	swait.ge [sflag:s17], $0x7A00  }
0x3d: {  	[sflag:s17] =	ssyncset.done $0x0  }
0x3e: {  	s14 =	simm.s32 $0xF428;
	[sflag:s17] =	ssyncadd.s32 $0xFFFF8600  }
0x3f: {  	[spmem:s10] =	stream.linear.scatter [tilespmem:s14], [sflag:$0x3], $0x7A00, $0x38;
	[tilespmem:$0x1F928] =	vst v63  }
0x40: {  	_ =	swait.ge [sflag:s15], $0x7A00  }
0x41: {  	[sflag:s15] =	ssyncset.done $0x0  }
0x42: {  	s19 =	simm.s32 $0x16E28;
	[sflag:s15] =	ssyncadd.s32 $0xFFFF8600  }
0x43: {  	[spmem:s7] =	stream.linear.scatter [tilespmem:s19], [sflag:$0x4], $0x7A00, $0x38;
	[tilespmem:$0x1F928] =	vst v63  }
0x44: {  	_ =	swait.ge [sflag:s13], $0x7A00  }
0x45: {  	[sflag:s13] =	ssyncset.done $0x0  }
0x46: {  	s2 =	rddreg [dreg:$0x11];
	[sflag:s13] =	ssyncadd.s32 $0xFFFF8600  }
0x47: {  	[tilespmem:s24], [sflag:$0x1] =	stream.strided.gather @!p2 [hbm4b:s2+s25], $0x7A00, s28, s25, $0x38;
	[tilespmem:$0x1F928] =	vst v63  }
0x48: {  	s8 =	rddreg [dreg:$0x12]  }
0x49: {  	[tilespmem:s9], [sflag:$0x1] =	stream.strided.gather @p1 [hbm4b:s8+s30], $0x7A00, s31, s30, $0x38;
	[tilespmem:$0x1F928] =	vst v63  }
0x4a: {  	_ =	swait.ge [sflag:s12], $0x7A00  }
0x4b: {  	[sflag:s12] =	ssyncset.done $0x0  }
0x4c: {  	s2 =	rddreg [dreg:$0x13];
	[sflag:s12] =	ssyncadd.s32 $0xFFFF8600  }
0x4d: {  	[tilespmem:s21], [sflag:$0x2] =	stream.strided.gather @!p2 [hbm4b:s2+s25], $0x7A00, s28, s25, $0x38;
	[tilespmem:$0x1F928] =	vst v63  }
0x4e: {  	s8 =	rddreg [dreg:$0x14];
	s2 =	simm.s32 @!p0 $0x6  }
0x4f: {  	[tilespmem:s1], [sflag:$0x2] =	stream.strided.gather @p1 [hbm4b:s8+s30], $0x7A00, s31, s30, $0x38;
	[tilespmem:$0x1F928] =	vst v63  }
0x50: {  	_ =	swait.ge @!p0 [sflag:s2], $0x280  }
0x51: {  	[sflag:s2] =	ssyncset.done @!p0 $0x0  }
0x52: {  	[sflag:s2] =	ssyncadd.s32 @!p0 $0xFFFFFD80  }
0x53: {  	_ =	swait.ge @!p0 [sflag:s2], $0x280  }
0x54: {  	[sflag:s2] =	ssyncset.done @!p0 $0x0  }
0x55: {  	s0 =	simm.s32 @!p0 $0x1E828;
	s8 =	simm.s32 @!p0 $0x7;
	[sflag:s2] =	ssyncadd.s32 @!p0 $0xFFFFFD80  }
0x56: {  	[spmem:s3] =	stream.linear.scatter @!p0 [tilespmem:s0], [sflag:$0x7], $0x280, $0x38;
	[tilespmem:$0x1F928] =	vst v63  }
0x57: {  	_ =	swait.ge @!p0 [sflag:s8], $0x280  }
0x58: {  	[sflag:s8] =	ssyncset.done @!p0 $0x0  }
0x59: {  	s29 =	smov.u32 s18;
	s18 =	simm.s32 $0x1ED28;
	[sflag:s8] =	ssyncadd.s32 @!p0 $0xFFFFFD80  }
0x5a: {  	s26 =	simm.s32 $0x1F128;
	s14 =	simm.s32 $0x400;
	[bflag:$0x0] =	sbarrier.arrive $0xFFFF  }
0x5b: {  	[tilespmem:s26], [sflag:$0x5] =	stream.indirect.gather [spmem:s29], $0x1, s18, s14, $0xb8;
	[tilespmem:$0x1F928] =	vst v63  }
0x5c: {  	_ =	swait.ge [sflag:s6], $0x400  }
0x5d: {  	[sflag:s6] =	ssyncset.done $0x0  }
0x5e: {  	s14 =	simm.s32 $0x0;
	s0 =	rddreg [dreg:$0x15];
	[sflag:s6] =	ssyncadd.s32 $0xFFFFFC00  }
0x5f: {  	[hbm4b:s0+s14] =	stream.linear.scatter [tilespmem:s26], [sflag:$0x6], $0x400, $0x38;
	[tilespmem:$0x1F928] =	vst v63  }
0x60: {  	[bflag:$0x0] =	sbarrier.arrive $0xFFFF  }
0x61: {  	_ =	swait.ge [sflag:s17], $0x7A00  }
0x62: {  	[sflag:s17] =	ssyncset.done $0x0  }
0x63: {  	s11 =	simm.s32 $0xF428;
	[sflag:s17] =	ssyncadd.s32 $0xFFFF8600  }
0x64: {  	[spmem:s10] =	stream.linear.scatter [tilespmem:s11], [sflag:$0x3], $0x7A00, $0x38;
	[tilespmem:$0x1F928] =	vst v63  }
0x65: {  	_ =	swait.ge [sflag:s15], $0x7A00  }
0x66: {  	[sflag:s15] =	ssyncset.done $0x0  }
0x67: {  	[sflag:s15] =	ssyncadd.s32 $0xFFFF8600  }
0x68: {  	[spmem:s7] =	stream.linear.scatter [tilespmem:s19], [sflag:$0x4], $0x7A00, $0x38;
	[tilespmem:$0x1F928] =	vst v63  }
0x69: {  	_ =	swait.ge [sflag:s13], $0x7A00  }
0x6a: {  	[sflag:s13] =	ssyncset.done $0x0  }
0x6b: {  	[sflag:s13] =	ssyncadd.s32 $0xFFFF8600  }
0x6c: {  	_ =	swait.ge [sflag:s12], $0x7A00  }
0x6d: {  	[sflag:s12] =	ssyncset.done $0x0  }
0x6e: {  	s0 =	simm.s32 @!p0 $0x1EAA8;
	[sflag:s12] =	ssyncadd.s32 $0xFFFF8600  }
0x6f: {  	[spmem:s3] =	stream.linear.scatter @!p0 [tilespmem:s0], [sflag:$0x7], $0x280, $0x38;
	[tilespmem:$0x1F928] =	vst v63  }
0x70: {  	_ =	swait.ge @!p0 [sflag:s8], $0x280  }
0x71: {  	[sflag:s8] =	ssyncset.done @!p0 $0x0  }
0x72: {  	[sflag:s8] =	ssyncadd.s32 @!p0 $0xFFFFFD80  }
0x73: {  	s9 =	simm.s32 $0x400;
	s11 =	simm.s32 $0x1F528;
	[bflag:$0x0] =	sbarrier.arrive $0xFFFF  }
0x74: {  	[tilespmem:s11], [sflag:$0x5] =	stream.indirect.gather [spmem:s29], $0x1, s18, s9, $0xb8;
	[tilespmem:$0x1F928] =	vst v63  }
0x75: {  	_ =	swait.ge [sflag:s6], $0x400  }
0x76: {  	s14 =	simm.s32 $0x0;
	s9 =	sadd.s32 $0xFFFFFFFF, s16;
	[sflag:s6] =	ssyncset.done $0x0  }
0x77: {  	p6 =	sne.s32 s9, $0x0;
	s29 =	rddreg [dreg:$0x16];
	[sflag:s6] =	ssyncadd.s32 $0xFFFFFC00  }
0x78: {  	[hbm4b:s29+s14] =	stream.linear.scatter [tilespmem:s11], [sflag:$0x7], $0x400, $0x38;
	[tilespmem:$0x1F928] =	vst v63  }
.Ltmp1:
0x79: {  	_ =	swait.ge [sflag:s5], $0x400;
	(pc) =	sbr.rel @!p6 .LBB2_2-.Ltmp1, $4  }
0x7a: {  	[sflag:s5] =	ssyncset.done $0x0  }
0x7b: {  	[sflag:s5] =	ssyncadd.s32 $0xFFFFFC00  }
0x7c: {  	_ =	swait.ge [sflag:s4], $0x400  }
0x7d: {  	p5 =	por $0x1, $0x1;
	[sflag:s4] =	ssyncset.done $0x0;
	s11 =	rddreg [dreg:$0x9]  }
.LBB2_3:
0x7e: {  	[sflag:s4] =	ssyncadd.s32 $0xFFFFFC00;
	s16 =	simm.s32 @!p2 $0x0;
	s29 =	simm.s32 @!p2 $0x1ED28  }
0x7f: {  	[tilespmem:s29], [sflag:$0x7] =	stream.linear.gather @!p2 [hbm4b:s11+s16], $0x400, $0x38;
	[tilespmem:$0x1F928] =	vst v63  }
0x80: {  	_ =	swait.ge @!p2 [sflag:s22], $0x400  }
0x81: {  	s0 =	simm.s32 @p1 $0x0;
	[sflag:s22] =	ssyncset.done @!p2 $0x0  }
0x82: {  	s16 =	simm.s32 @p1 $0x1ED28;
	s11 =	rddreg [dreg:$0xa];
	[sflag:s22] =	ssyncadd.s32 @!p2 $0xFFFFFC00  }
0x83: {  	[tilespmem:s16], [sflag:$0x7] =	stream.linear.gather @p1 [hbm4b:s11+s0], $0x400, $0x38;
	[tilespmem:$0x1F928] =	vst v63  }
0x84: {  	_ =	swait.ge @p1 [sflag:s23], $0x400  }
0x85: {  	s14 =	simm.s32 @!p4 $0x100;
	s29 =	simm.s32 @!p4 $0x80;
	[sflag:s23] =	ssyncset.done @p1 $0x0  }
0x86: {  	s0 =	simm.s32 @!p4 $0x1E828;
	s11 =	rddreg [dreg:$0x8];
	[sflag:s23] =	ssyncadd.s32 @p1 $0xFFFFFC00  }
0x87: {  	[tilespmem:s0], [sflag:$0x6] =	stream.strided.gather @!p4 [hbm4b:s11+s29], $0x280, s14, s29, $0x38;
	[tilespmem:$0x1F928] =	vst v63  }
0x88: {  	s16 =	rddreg [dreg:$0xb];
	s0 =	simm.s32 @!p4 $0x1EAA8  }
0x89: {  	[tilespmem:s0], [sflag:$0x6] =	stream.strided.gather @!p4 [hbm4b:s16+s29], $0x280, s14, s29, $0x38;
	[tilespmem:$0x1F928] =	vst v63  }
0x8a: {  	s0 =	simm.s32 @p3 $0x1E828;
	s14 =	simm.s32 @p3 $0x80;
	s16 =	rddreg [dreg:$0x5]  }
0x8b: {  	[tilespmem:s0], [sflag:$0x6] =	stream.strided.gather @p3 [hbm4b:s16+s14], $0x280, s20, s14, $0x38;
	[tilespmem:$0x1F928] =	vst v63  }
0x8c: {  	s11 =	rddreg [dreg:$0xc];
	s0 =	simm.s32 @p3 $0x1EAA8  }
0x8d: {  	[tilespmem:s0], [sflag:$0x6] =	stream.strided.gather @p3 [hbm4b:s11+s14], $0x280, s20, s14, $0x38;
	[tilespmem:$0x1F928] =	vst v63  }
0x8e: {  	s16 =	rddreg [dreg:$0xd]  }
0x8f: {  	[tilespmem:s24], [sflag:$0x1] =	stream.strided.gather @!p2 [hbm4b:s16+s25], $0x7A00, s28, s25, $0x38;
	[tilespmem:$0x1F928] =	vst v63  }
0x90: {  	s11 =	rddreg [dreg:$0xe];
	s0 =	simm.s32 @p1 $0xF428  }
0x91: {  	[tilespmem:s0], [sflag:$0x1] =	stream.strided.gather @p1 [hbm4b:s11+s30], $0x7A00, s31, s30, $0x38;
	[tilespmem:$0x1F928] =	vst v63  }
0x92: {  	s16 =	rddreg [dreg:$0xf]  }
0x93: {  	[tilespmem:s21], [sflag:$0x2] =	stream.strided.gather @!p2 [hbm4b:s16+s25], $0x7A00, s28, s25, $0x38;
	[tilespmem:$0x1F928] =	vst v63  }
0x94: {  	s11 =	rddreg [dreg:$0x10]  }
0x95: {  	[tilespmem:s1], [sflag:$0x2] =	stream.strided.gather @p1 [hbm4b:s11+s30], $0x7A00, s31, s30, $0x38;
	[tilespmem:$0x1F928] =	vst v63  }
0x96: {  	_ =	swait.ge [sflag:s17], $0x7A00  }
0x97: {  	[sflag:s17] =	ssyncset.done $0x0  }
0x98: {  	s14 =	simm.s32 $0xF428;
	[sflag:s17] =	ssyncadd.s32 $0xFFFF8600  }
0x99: {  	[spmem:s10] =	stream.linear.scatter [tilespmem:s14], [sflag:$0x3], $0x7A00, $0x38;
	[tilespmem:$0x1F928] =	vst v63  }
0x9a: {  	_ =	swait.ge [sflag:s15], $0x7A00  }
0x9b: {  	[sflag:s15] =	ssyncset.done $0x0  }
0x9c: {  	[sflag:s15] =	ssyncadd.s32 $0xFFFF8600  }
0x9d: {  	[spmem:s7] =	stream.linear.scatter [tilespmem:s19], [sflag:$0x4], $0x7A00, $0x38;
	[tilespmem:$0x1F928] =	vst v63  }
0x9e: {  	_ =	swait.ge [sflag:s13], $0x7A00  }
0x9f: {  	[sflag:s13] =	ssyncset.done $0x0  }
0xa0: {  	s11 =	rddreg [dreg:$0x11];
	[sflag:s13] =	ssyncadd.s32 $0xFFFF8600  }
0xa1: {  	[tilespmem:s24], [sflag:$0x1] =	stream.strided.gather @!p2 [hbm4b:s11+s25], $0x7A00, s28, s25, $0x38;
	[tilespmem:$0x1F928] =	vst v63  }
0xa2: {  	s16 =	rddreg [dreg:$0x12]  }
0xa3: {  	[tilespmem:s0], [sflag:$0x1] =	stream.strided.gather @p1 [hbm4b:s16+s30], $0x7A00, s31, s30, $0x38;
	[tilespmem:$0x1F928] =	vst v63  }
0xa4: {  	_ =	swait.ge [sflag:s12], $0x7A00  }
0xa5: {  	[sflag:s12] =	ssyncset.done $0x0  }
0xa6: {  	s11 =	rddreg [dreg:$0x13];
	[sflag:s12] =	ssyncadd.s32 $0xFFFF8600  }
0xa7: {  	[tilespmem:s21], [sflag:$0x2] =	stream.strided.gather @!p2 [hbm4b:s11+s25], $0x7A00, s28, s25, $0x38;
	[tilespmem:$0x1F928] =	vst v63  }
0xa8: {  	s16 =	rddreg [dreg:$0x14]  }
0xa9: {  	[tilespmem:s1], [sflag:$0x2] =	stream.strided.gather @p1 [hbm4b:s16+s30], $0x7A00, s31, s30, $0x38;
	[tilespmem:$0x1F928] =	vst v63  }
0xaa: {  	_ =	swait.ge @!p0 [sflag:s2], $0x280  }
0xab: {  	[sflag:s2] =	ssyncset.done @!p0 $0x0  }
0xac: {  	[sflag:s2] =	ssyncadd.s32 @!p0 $0xFFFFFD80  }
0xad: {  	_ =	swait.ge @!p0 [sflag:s2], $0x280  }
0xae: {  	[sflag:s2] =	ssyncset.done @!p0 $0x0  }
0xaf: {  	s0 =	simm.s32 @!p0 $0x1E828;
	[sflag:s2] =	ssyncadd.s32 @!p0 $0xFFFFFD80  }
0xb0: {  	[spmem:s3] =	stream.linear.scatter @!p0 [tilespmem:s0], [sflag:$0x7], $0x280, $0x38;
	[tilespmem:$0x1F928] =	vst v63  }
0xb1: {  	_ =	swait.ge @!p0 [sflag:s8], $0x280  }
0xb2: {  	[sflag:s8] =	ssyncset.done @!p0 $0x0  }
0xb3: {  	[sflag:s8] =	ssyncadd.s32 @!p0 $0xFFFFFD80  }
0xb4: {  	[bflag:$0x0] =	sbarrier.arrive $0xFFFF  }
0xb5: {  	s0 =	simm.s32 $0x400;
	s29 =	rddreg [dreg:$0x6]  }
0xb6: {  	[tilespmem:s26], [sflag:$0x5] =	stream.indirect.gather [spmem:s29], $0x1, s18, s0, $0xb8;
	[tilespmem:$0x1F928] =	vst v63  }
0xb7: {  	_ =	swait.ge [sflag:s6], $0x400  }
0xb8: {  	[sflag:s6] =	ssyncset.done $0x0  }
0xb9: {  	s16 =	simm.s32 $0x0;
	s11 =	rddreg [dreg:$0x15];
	[sflag:s6] =	ssyncadd.s32 $0xFFFFFC00  }
0xba: {  	[hbm4b:s11+s16] =	stream.linear.scatter [tilespmem:s26], [sflag:$0x6], $0x400, $0x38;
	[tilespmem:$0x1F928] =	vst v63  }
0xbb: {  	[bflag:$0x0] =	sbarrier.arrive $0xFFFF  }
0xbc: {  	_ =	swait.ge [sflag:s17], $0x7A00  }
0xbd: {  	[sflag:s17] =	ssyncset.done $0x0  }
0xbe: {  	[sflag:s17] =	ssyncadd.s32 $0xFFFF8600  }
0xbf: {  	[spmem:s10] =	stream.linear.scatter [tilespmem:s14], [sflag:$0x3], $0x7A00, $0x38;
	[tilespmem:$0x1F928] =	vst v63  }
0xc0: {  	_ =	swait.ge [sflag:s15], $0x7A00  }
0xc1: {  	[sflag:s15] =	ssyncset.done $0x0  }
0xc2: {  	[sflag:s15] =	ssyncadd.s32 $0xFFFF8600  }
0xc3: {  	[spmem:s7] =	stream.linear.scatter [tilespmem:s19], [sflag:$0x4], $0x7A00, $0x38;
	[tilespmem:$0x1F928] =	vst v63  }
0xc4: {  	_ =	swait.ge [sflag:s13], $0x7A00  }
0xc5: {  	[sflag:s13] =	ssyncset.done $0x0  }
0xc6: {  	[sflag:s13] =	ssyncadd.s32 $0xFFFF8600  }
0xc7: {  	_ =	swait.ge [sflag:s12], $0x7A00  }
0xc8: {  	[sflag:s12] =	ssyncset.done $0x0  }
0xc9: {  	s11 =	simm.s32 @!p0 $0x1EAA8;
	[sflag:s12] =	ssyncadd.s32 $0xFFFF8600  }
0xca: {  	[spmem:s3] =	stream.linear.scatter @!p0 [tilespmem:s11], [sflag:$0x7], $0x280, $0x38;
	[tilespmem:$0x1F928] =	vst v63  }
0xcb: {  	_ =	swait.ge @!p0 [sflag:s8], $0x280  }
0xcc: {  	[sflag:s8] =	ssyncset.done @!p0 $0x0  }
0xcd: {  	[sflag:s8] =	ssyncadd.s32 @!p0 $0xFFFFFD80  }
0xce: {  	s11 =	simm.s32 $0x1F528;
	[bflag:$0x0] =	sbarrier.arrive $0xFFFF  }
0xcf: {  	[tilespmem:s11], [sflag:$0x5] =	stream.indirect.gather [spmem:s29], $0x1, s18, s0, $0xb8;
	[tilespmem:$0x1F928] =	vst v63  }
0xd0: {  	_ =	swait.ge [sflag:s6], $0x400  }
0xd1: {  	s9 =	sadd.s32 $0xFFFFFFFF, s9;
	[sflag:s6] =	ssyncset.done $0x0  }
0xd2: {  	p6 =	sne.s32 s9, $0x0;
	s29 =	rddreg [dreg:$0x16];
	[sflag:s6] =	ssyncadd.s32 $0xFFFFFC00  }
0xd3: {  	[hbm4b:s29+s16] =	stream.linear.scatter [tilespmem:s11], [sflag:$0x7], $0x400, $0x38;
	[tilespmem:$0x1F928] =	vst v63  }
.Ltmp2:
0xd4: {  	_ =	swait.ge [sflag:s5], $0x400;
	(pc) =	sbr.rel @p6 .LBB2_3-.Ltmp2, $4  }
0xd5: {  	[sflag:s5] =	ssyncset.done $0x0  }
0xd6: {  	[sflag:s5] =	ssyncadd.s32 $0xFFFFFC00  }
0xd7: {  	_ =	swait.ge [sflag:s4], $0x400  }
0xd8: {  	s11 =	rddreg [dreg:$0x9];
	[sflag:s4] =	ssyncset.done $0x0  }
0xd9: {  	s22 =	rddreg [dreg:$0x7]  }
0xda: {  	s18 =	rddreg [dreg:$0x6];
	s19 =	simm.s32 $0x400  }
0xdb: {  	s23 =	simm.s32 $0x1F528;
	s24 =	simm.s32 $0x1ED28;
	s21 =	rddreg [dreg:$0x5]  }
0xdc: {  	s25 =	simm.s32 $0x16E28;
	s26 =	simm.s32 $0xF428;
	s28 =	simm.s32 $0x1F128  }
.LBB2_5:
0xdd: {  	[sflag:s4] =	ssyncadd.s32 @p5 $0xFFFFFC00  }
0xde: {  	s0 =	simm.s32 @!p2 $0x0;
	s1 =	simm.s32 @!p2 $0x1ED28;
	s2 =	simm.s32 @!p2 $0x7  }
0xdf: {  	[tilespmem:s1], [sflag:$0x7] =	stream.linear.gather @!p2 [hbm4b:s11+s0], $0x400, $0x38;
	[tilespmem:$0x1F928] =	vst v63  }
0xe0: {  	_ =	swait.ge @!p2 [sflag:s2], $0x400  }
0xe1: {  	s8 =	simm.s32 @p1 $0x1ED28;
	s1 =	simm.s32 @p1 $0x7;
	[sflag:s2] =	ssyncset.done @!p2 $0x0  }
0xe2: {  	s0 =	rddreg [dreg:$0xa];
	[sflag:s2] =	ssyncadd.s32 @!p2 $0xFFFFFC00;
	s2 =	simm.s32 @p1 $0x0  }
0xe3: {  	[tilespmem:s8], [sflag:$0x7] =	stream.linear.gather @p1 [hbm4b:s0+s2], $0x400, $0x38;
	[tilespmem:$0x1F928] =	vst v63  }
0xe4: {  	s2 =	simm.s32 @!p4 $0x100;
	_ =	swait.ge @p1 [sflag:s1], $0x400  }
0xe5: {  	s8 =	simm.s32 @!p4 $0x1E828;
	s0 =	rddreg [dreg:$0x8];
	[sflag:s1] =	ssyncset.done @p1 $0x0  }
0xe6: {  	s9 =	rddreg [dreg:$0xb];
	[sflag:s1] =	ssyncadd.s32 @p1 $0xFFFFFC00;
	s1 =	simm.s32 @!p4 $0x80  }
0xe7: {  	[tilespmem:s8], [sflag:$0x6] =	stream.strided.gather @!p4 [hbm4b:s0+s1], $0x280, s2, s1, $0x38;
	[tilespmem:$0x1F928] =	vst v63  }
0xe8: {  	s14 =	rddreg [dreg:$0xd];
	s0 =	simm.s32 @!p4 $0x1EAA8  }
0xe9: {  	[tilespmem:s0], [sflag:$0x6] =	stream.strided.gather @!p4 [hbm4b:s9+s1], $0x280, s2, s1, $0x38;
	[tilespmem:$0x1F928] =	vst v63  }
0xea: {  	s8 =	simm.s32 @p3 $0x1E828;
	s0 =	simm.s32 @p3 $0x80;
	s1 =	simm.s32 @p3 $0x100  }
0xeb: {  	[tilespmem:s8], [sflag:$0x6] =	stream.strided.gather @p3 [hbm4b:s21+s0], $0x280, s1, s0, $0x38;
	[tilespmem:$0x1F928] =	vst v63  }
0xec: {  	s11 =	simm.s32 @p1 $0xF428;
	s2 =	rddreg [dreg:$0xc];
	s8 =	simm.s32 @p3 $0x1EAA8  }
0xed: {  	[tilespmem:s8], [sflag:$0x6] =	stream.strided.gather @p3 [hbm4b:s2+s0], $0x280, s1, s0, $0x38;
	[tilespmem:$0x1F928] =	vst v63  }
0xee: {  	s9 =	simm.s32 @!p2 $0xF428;
	s0 =	simm.s32 @!p2 $0x80;
	s1 =	simm.s32 @!p2 $0x100  }
0xef: {  	[tilespmem:s9], [sflag:$0x1] =	stream.strided.gather @!p2 [hbm4b:s14+s0], $0x7A00, s1, s0, $0x38;
	[tilespmem:$0x1F928] =	vst v63  }
0xf0: {  	s2 =	rddreg [dreg:$0xe];
	s8 =	simm.s32 @p1 $0x80;
	s14 =	simm.s32 @p1 $0x100  }
0xf1: {  	[tilespmem:s11], [sflag:$0x1] =	stream.strided.gather @p1 [hbm4b:s2+s8], $0x7A00, s14, s8, $0x38;
	[tilespmem:$0x1F928] =	vst v63  }
0xf2: {  	s16 =	rddreg [dreg:$0xf];
	s2 =	simm.s32 @!p2 $0x16E28  }
0xf3: {  	[tilespmem:s2], [sflag:$0x2] =	stream.strided.gather @!p2 [hbm4b:s16+s0], $0x7A00, s1, s0, $0x38;
	[tilespmem:$0x1F928] =	vst v63  }
0xf4: {  	s20 =	rddreg [dreg:$0x10];
	s16 =	simm.s32 @p1 $0x16E28  }
0xf5: {  	[tilespmem:s16], [sflag:$0x2] =	stream.strided.gather @p1 [hbm4b:s20+s8], $0x7A00, s14, s8, $0x38;
	[tilespmem:$0x1F928] =	vst v63  }
0xf6: {  	_ =	swait.ge [sflag:s17], $0x7A00  }
0xf7: {  	[sflag:s17] =	ssyncset.done $0x0  }
0xf8: {  	[sflag:s17] =	ssyncadd.s32 $0xFFFF8600  }
0xf9: {  	[spmem:s10] =	stream.linear.scatter [tilespmem:s26], [sflag:$0x3], $0x7A00, $0x38;
	[tilespmem:$0x1F928] =	vst v63  }
0xfa: {  	_ =	swait.ge [sflag:s15], $0x7A00  }
0xfb: {  	[sflag:s15] =	ssyncset.done $0x0  }
0xfc: {  	[sflag:s15] =	ssyncadd.s32 $0xFFFF8600  }
0xfd: {  	[spmem:s7] =	stream.linear.scatter [tilespmem:s25], [sflag:$0x4], $0x7A00, $0x38;
	[tilespmem:$0x1F928] =	vst v63  }
0xfe: {  	_ =	swait.ge [sflag:s13], $0x7A00  }
0xff: {  	[sflag:s13] =	ssyncset.done $0x0  }
0x100: {  	s20 =	rddreg [dreg:$0x11];
	[sflag:s13] =	ssyncadd.s32 $0xFFFF8600  }
0x101: {  	[tilespmem:s9], [sflag:$0x1] =	stream.strided.gather @!p2 [hbm4b:s20+s0], $0x7A00, s1, s0, $0x38;
	[tilespmem:$0x1F928] =	vst v63  }
0x102: {  	s21 =	rddreg [dreg:$0x12]  }
0x103: {  	[tilespmem:s11], [sflag:$0x1] =	stream.strided.gather @p1 [hbm4b:s21+s8], $0x7A00, s14, s8, $0x38;
	[tilespmem:$0x1F928] =	vst v63  }
0x104: {  	_ =	swait.ge [sflag:s12], $0x7A00  }
0x105: {  	[sflag:s12] =	ssyncset.done $0x0  }
0x106: {  	s9 =	rddreg [dreg:$0x13];
	[sflag:s12] =	ssyncadd.s32 $0xFFFF8600  }
0x107: {  	[tilespmem:s2], [sflag:$0x2] =	stream.strided.gather @!p2 [hbm4b:s9+s0], $0x7A00, s1, s0, $0x38;
	[tilespmem:$0x1F928] =	vst v63  }
0x108: {  	s11 =	rddreg [dreg:$0x14];
	s0 =	simm.s32 @!p0 $0x6  }
0x109: {  	[tilespmem:s16], [sflag:$0x2] =	stream.strided.gather @p1 [hbm4b:s11+s8], $0x7A00, s14, s8, $0x38;
	[tilespmem:$0x1F928] =	vst v63  }
0x10a: {  	_ =	swait.ge @!p0 [sflag:s0], $0x280  }
0x10b: {  	[sflag:s0] =	ssyncset.done @!p0 $0x0  }
0x10c: {  	[sflag:s0] =	ssyncadd.s32 @!p0 $0xFFFFFD80  }
0x10d: {  	_ =	swait.ge @!p0 [sflag:s0], $0x280  }
0x10e: {  	[sflag:s0] =	ssyncset.done @!p0 $0x0  }
0x10f: {  	s1 =	simm.s32 @!p0 $0x7;
	[sflag:s0] =	ssyncadd.s32 @!p0 $0xFFFFFD80;
	s0 =	simm.s32 @!p0 $0x1E828  }
0x110: {  	[spmem:s3] =	stream.linear.scatter @!p0 [tilespmem:s0], [sflag:$0x7], $0x280, $0x38;
	[tilespmem:$0x1F928] =	vst v63  }
0x111: {  	_ =	swait.ge @!p0 [sflag:s1], $0x280  }
0x112: {  	[sflag:s1] =	ssyncset.done @!p0 $0x0  }
0x113: {  	[sflag:s1] =	ssyncadd.s32 @!p0 $0xFFFFFD80  }
0x114: {  	[bflag:$0x0] =	sbarrier.arrive $0xFFFF  }
0x115: {  	[tilespmem:s28], [sflag:$0x5] =	stream.indirect.gather [spmem:s18], $0x1, s24, s19, $0xb8;
	[tilespmem:$0x1F928] =	vst v63  }
0x116: {  	_ =	swait.ge [sflag:s6], $0x400  }
0x117: {  	[sflag:s6] =	ssyncset.done $0x0  }
0x118: {  	s30 =	simm.s32 $0x0;
	s29 =	rddreg [dreg:$0x15];
	[sflag:s6] =	ssyncadd.s32 $0xFFFFFC00  }
0x119: {  	[hbm4b:s29+s30] =	stream.linear.scatter [tilespmem:s28], [sflag:$0x6], $0x400, $0x38;
	[tilespmem:$0x1F928] =	vst v63  }
0x11a: {  	[bflag:$0x0] =	sbarrier.arrive $0xFFFF  }
0x11b: {  	_ =	swait.ge [sflag:s17], $0x7A00  }
0x11c: {  	[sflag:s17] =	ssyncset.done $0x0  }
0x11d: {  	[sflag:s17] =	ssyncadd.s32 $0xFFFF8600  }
0x11e: {  	[spmem:s10] =	stream.linear.scatter [tilespmem:s26], [sflag:$0x3], $0x7A00, $0x38;
	[tilespmem:$0x1F928] =	vst v63  }
0x11f: {  	_ =	swait.ge [sflag:s15], $0x7A00  }
0x120: {  	[sflag:s15] =	ssyncset.done $0x0  }
0x121: {  	[sflag:s15] =	ssyncadd.s32 $0xFFFF8600  }
0x122: {  	[spmem:s7] =	stream.linear.scatter [tilespmem:s25], [sflag:$0x4], $0x7A00, $0x38;
	[tilespmem:$0x1F928] =	vst v63  }
0x123: {  	_ =	swait.ge [sflag:s13], $0x7A00  }
0x124: {  	[sflag:s13] =	ssyncset.done $0x0  }
0x125: {  	[sflag:s13] =	ssyncadd.s32 $0xFFFF8600  }
0x126: {  	_ =	swait.ge [sflag:s12], $0x7A00  }
0x127: {  	[sflag:s12] =	ssyncset.done $0x0  }
0x128: {  	s0 =	simm.s32 @!p0 $0x1EAA8;
	[sflag:s12] =	ssyncadd.s32 $0xFFFF8600  }
0x129: {  	[spmem:s3] =	stream.linear.scatter @!p0 [tilespmem:s0], [sflag:$0x7], $0x280, $0x38;
	[tilespmem:$0x1F928] =	vst v63  }
0x12a: {  	_ =	swait.ge @!p0 [sflag:s1], $0x280  }
0x12b: {  	[sflag:s1] =	ssyncset.done @!p0 $0x0  }
0x12c: {  	[sflag:s1] =	ssyncadd.s32 @!p0 $0xFFFFFD80  }
0x12d: {  	[bflag:$0x0] =	sbarrier.arrive $0xFFFF  }
0x12e: {  	[tilespmem:s23], [sflag:$0x5] =	stream.indirect.gather [spmem:s18], $0x1, s24, s19, $0xb8;
	[tilespmem:$0x1F928] =	vst v63  }
0x12f: {  	_ =	swait.ge [sflag:s6], $0x400  }
0x130: {  	[sflag:s6] =	ssyncset.done $0x0  }
0x131: {  	s31 =	rddreg [dreg:$0x16];
	[sflag:s6] =	ssyncadd.s32 $0xFFFFFC00  }
0x132: {  	[hbm4b:s31+s30] =	stream.linear.scatter [tilespmem:s23], [sflag:$0x7], $0x400, $0x38;
	[tilespmem:$0x1F928] =	vst v63  }
0x133: {  	_ =	swait.ge [sflag:s5], $0x400  }
0x134: {  	[sflag:s5] =	ssyncset.done $0x0  }
0x135: {  	[sflag:s5] =	ssyncadd.s32 $0xFFFFFC00  }
0x136: {  	_ =	swait.ge [sflag:s4], $0x400  }
0x137: {  	[sflag:s4] =	ssyncset.done $0x0  }
0x138: {  	[sflag:s4] =	ssyncadd.s32 $0xFFFFFC00  }
0x139: {  	_ =	sfence.sel $0x180000  }
0x13a: {  	[bflag:$0x0] =	sbarrier.arrive $0xFFFF  }
0x13b: {  	_ =	strace $0x90000047  }
0x13c: {  	s0 =	sadd.s32 @!p0 $0x100000, s22;
	[bflag:$0x2] =	sbarrier.arrive $0xFFFF  }
0x13d: {  	[sflag:s0] =	ssyncadd.tile.s32 @!p0 $0x1;
	_ =	shalt  }
.LBB2_2:
.Ltmp3:
0x13e: {  	(pc) =	sbr.rel .LBB2_5-.Ltmp3, $4  }
0x13f: {  	s22 =	rddreg [dreg:$0x7]  }
0x140: {  	s18 =	rddreg [dreg:$0x6];
	s19 =	simm.s32 $0x400  }
0x141: {  	s23 =	simm.s32 $0x1F528;
	s24 =	simm.s32 $0x1ED28;
	s21 =	rddreg [dreg:$0x5]  }
0x142: {  	s25 =	simm.s32 $0x16E28;
	s26 =	simm.s32 $0xF428;
	s28 =	simm.s32 $0x1F128  }
.Lfunc_end2:
_tile_overlayer_lowered:
.L_overlay_start_2:
0x143: {  	(tag) =	ssettag $0x2  }
0x144: {  	s0 =	rddreg [dreg:$0x0];
	s2 =	stileid.u32  }
0x145: {  	s1 =	rddreg [dreg:$0x1];
	p0 =	sne.s32 s2, $0x0  }
0x146: {  	s3 =	rddreg [dreg:$0x2];
	[bflag:$0x3] =	sbarrier.arrive $0xFFFF;
	s2 =	simm.s32 @!p0 $0x1C07  }
0x147: {  	[timem:s3], [sflag:s2] =	dma.local @!p0 [hbm:s0], s1  }
0x148: {  	s0 =	simm.s32 @!p0 $0x7  }
0x149: {  	_ =	swait.ge @!p0 [sflag:s0], s1  }
0x14a: {  	s1 =	ssub.s32 @!p0 $0x0, s1;
	[sflag:s0] =	ssyncset.done @!p0 $0x0  }
0x14b: {  	[sflag:s0] =	ssyncadd.s32 @!p0 s1  }
0x14c: {  	[bflag:$0x3] =	sbarrier.arrive $0xFFFF  }
0x14d: {  	_ =	shalt  }

</sc_bundles>
